<compile_context>
chip_gen: v7x
topology: tpu7x:2x2x1
jax: 0.10.2.dev20260603
libtpu: 0.0.44.dev20260713+nightly
codegen_flags: <defaults>
</compile_context>

<pallas_src>
import functools

import jax
import jax.numpy as jnp
from jax import lax
from jax.experimental import pallas as pl
from jax.experimental.pallas import tpu as pltpu
from jax.experimental.pallas import tpu_sc as plsc

_B = 16384
_D = 512
_L = 16
_NW = 32
_RW = _B // _NW
_CH = 64
_NCH = _RW // _CH

_CLIP_LO = 1e-12
_CLIP_HI = 1e12


def _body(x_hbm, lbl_hbm, ctr_hbm, out_hbm, idx_v, x_v, c_v, tot_v, sem):
    cid = lax.axis_index("c")
    sid = lax.axis_index("s")
    wid = sid * 2 + cid
    base = wid * _RW

    pltpu.sync_copy(lbl_hbm.at[wid], idx_v)

    lane = lax.iota(jnp.int32, _L)
    total = jnp.zeros((_L,), jnp.float32)

    for ch in range(_NCH):
        pltpu.sync_copy(x_hbm.at[pl.ds(base + ch * _CH, _CH)], x_v)
        pltpu.async_copy(ctr_hbm.at[idx_v.at[ch]], c_v, sem).wait()

        def group_body(g, tot):
            rows = g * _L + lane

            def feat_body(k, acc):
                col = jnp.full((_L,), 0, jnp.int32) + k
                xv = plsc.load_gather(x_v, [rows, col])
                cv = plsc.load_gather(c_v, [rows, col])
                d = xv - cv
                return acc + d * d

            dist = lax.fori_loop(0, _D, feat_body, jnp.zeros((_L,), jnp.float32))
            dist = jnp.minimum(jnp.maximum(dist, _CLIP_LO), _CLIP_HI)
            return tot + dist

        total = lax.fori_loop(0, _CH // _L, group_body, total)

    tot_v[...] = total
    pltpu.sync_copy(tot_v, out_hbm.at[wid])


@jax.jit
def _center_loss(x, labels, centers):
    mesh = plsc.VectorSubcoreMesh(core_axis_name="c", subcore_axis_name="s")
    lbl = labels.astype(jnp.int32).reshape(_NW, _NCH, _CH)
    run = functools.partial(
        pl.kernel,
        mesh=mesh,
        out_type=jax.ShapeDtypeStruct((_NW, _L), jnp.float32),
        scratch_types=[
            pltpu.VMEM((_NCH, _CH), jnp.int32),
            pltpu.VMEM((_CH, _D), jnp.float32),
            pltpu.VMEM((_CH, _D), jnp.float32),
            pltpu.VMEM((_L,), jnp.float32),
            pltpu.SemaphoreType.DMA,
        ],
        compiler_params=pltpu.CompilerParams(needs_layout_passes=False),
    )(_body)
    partials = run(x, lbl, centers)
    return jnp.sum(partials) * (1.0 / _B)


def kernel(x, labels, centers):
    return _center_loss(x, labels, centers)

# --- scband reference (transcript-rebuilt; emitter-appended) ---
"""Pipeline reference for scband-center-loss-90546500534914 (READ-ONLY COPY).

The authoritative reference and input builder live on the scoring server;
editing this copy changes nothing except your own understanding.
"""

import jax, jax.numpy as jnp
import numpy as np

NUM_CLASS = 1000
NUM_FEATURE = 512
BATCH = 16384

def setup_inputs(seed: int = 0) -> dict:
    key = jax.random.key(seed)
    k1, k2, k3 = jax.random.split(key, 3)
    x = jax.random.normal(k1, (BATCH, NUM_FEATURE), dtype=jnp.float32)
    labels = jax.random.randint(k2, (BATCH,), 0, NUM_CLASS, dtype=jnp.int64)
    centers = jax.random.normal(k3, (NUM_CLASS, NUM_FEATURE), dtype=jnp.float32)
    return {"x": x, "labels": labels, "centers": centers}

def reference(x, labels, centers):
    # gather per-sample class centers (SparseCore gather)
    center = jnp.take(centers, labels, axis=0)
    dist = jnp.sum((x - center) ** 2, axis=-1)
    loss = jnp.mean(jnp.clip(dist, 1e-12, 1000000000000.0), axis=-1)
    # alpha == 0, so no inter-center repulsion term
    return loss

if __name__ == "__main__":
    import jax
    _d = setup_inputs()
    print(jax.jit(kernel)(*tuple(_d.values())))

</pallas_src>

<mosaic_0001>
#map = affine_map<(d0, d1) -> (0, 0)>
#map1 = affine_map<(d0, d1) -> (0, 0, 0)>
module attributes {stable_mosaic.version = 14 : i64} {
  func.func @_body(%arg0: i32, %arg1: i32, %arg2: memref<16384x512xf32, #tpu.memory_space<hbm>>, %arg3: memref<32x8x64xi32, #tpu.memory_space<hbm>>, %arg4: memref<1000x512xf32, #tpu.memory_space<hbm>>, %arg5: memref<32x16xf32, #tpu.memory_space<hbm>>, %arg6: memref<8x64xi32, #tpu.memory_space<vmem>>, %arg7: memref<64x512xf32, #tpu.memory_space<vmem>>, %arg8: memref<64x512xf32, #tpu.memory_space<vmem>>, %arg9: memref<16xf32, #tpu.memory_space<vmem>>, %arg10: memref<!tpu.dma_semaphore, #tpu.memory_space<semaphore_mem>>) attributes {dimension_semantics = [#tpu.dimension_semantics<core_parallel>, #tpu.dimension_semantics<subcore_parallel>], iteration_bounds = array<i64: 2, 16>, scalar_prefetch = 0 : i64, scratch_operands = 5 : i64, tpu.core_type = #tpu.core_type<sc_vector_subcore>, window_params = [{transform_indices = #map}, {transform_indices = #map1}, {transform_indices = #map}, {transform_indices = #map}]} {
    %mul3A = arith.constant 2 : i32
    %mul3A_0 = arith.muli %arg1, %mul3A : i32
    %add3A = arith.addi %mul3A_0, %arg0 : i32
    %mul3A_1 = arith.constant 512 : i32
    %mul3A_2 = arith.muli %add3A, %mul3A_1 : i32
    "tpu.region"() ({
      %run_scoped3A = tpu.sem_alloc : memref<!tpu.dma_semaphore, #tpu.memory_space<semaphore_mem>>
      %dma_start3A_178 = arith.constant 0 : i32
      %dma_start3A_179 = arith.constant 0 : i32
      %dma_start3A_180 = tpu.memref_slice %arg3[%add3A, %dma_start3A_178, %dma_start3A_179] : memref<32x8x64xi32, #tpu.memory_space<hbm>> -> memref<1x8x64xi32, #tpu.memory_space<hbm>>
      %dma_start3A_181 = tpu.memref_squeeze %dma_start3A_180 : memref<1x8x64xi32, #tpu.memory_space<hbm>> -> memref<8x64xi32, #tpu.memory_space<hbm>>
      %dma_start3A_182 = arith.constant 0 : i32
      %dma_start3A_183 = arith.constant 0 : i32
      %dma_start3A_184 = tpu.memref_slice %arg3[%add3A, %dma_start3A_182, %dma_start3A_183] : memref<32x8x64xi32, #tpu.memory_space<hbm>> -> memref<1x8x64xi32, #tpu.memory_space<hbm>>
      %dma_start3A_185 = tpu.memref_squeeze %dma_start3A_184 : memref<1x8x64xi32, #tpu.memory_space<hbm>> -> memref<8x64xi32, #tpu.memory_space<hbm>>
      tpu.enqueue_dma source(%dma_start3A_185 : memref<8x64xi32, #tpu.memory_space<hbm>>) target(%arg6 : memref<8x64xi32, #tpu.memory_space<vmem>>) target_semaphore(%run_scoped3A : memref<!tpu.dma_semaphore, #tpu.memory_space<semaphore_mem>>)
      %dma_wait3A_186 = arith.constant 0 : i32
      %dma_wait3A_187 = arith.constant 0 : i32
      %dma_wait3A_188 = tpu.memref_slice %arg3[%add3A, %dma_wait3A_186, %dma_wait3A_187] : memref<32x8x64xi32, #tpu.memory_space<hbm>> -> memref<1x8x64xi32, #tpu.memory_space<hbm>>
      %dma_wait3A_189 = tpu.memref_squeeze %dma_wait3A_188 : memref<1x8x64xi32, #tpu.memory_space<hbm>> -> memref<8x64xi32, #tpu.memory_space<hbm>>
      %dma_wait3A_190 = arith.constant 0 : i32
      %dma_wait3A_191 = arith.constant 0 : i32
      %dma_wait3A_192 = tpu.memref_slice %arg3[%add3A, %dma_wait3A_190, %dma_wait3A_191] : memref<32x8x64xi32, #tpu.memory_space<hbm>> -> memref<1x8x64xi32, #tpu.memory_space<hbm>>
      %dma_wait3A_193 = tpu.memref_squeeze %dma_wait3A_192 : memref<1x8x64xi32, #tpu.memory_space<hbm>> -> memref<8x64xi32, #tpu.memory_space<hbm>>
      tpu.wait_dma2 semaphore(%run_scoped3A : memref<!tpu.dma_semaphore, #tpu.memory_space<semaphore_mem>>) src(%dma_wait3A_193 : memref<8x64xi32, #tpu.memory_space<hbm>>) dst(%arg6 : memref<8x64xi32, #tpu.memory_space<vmem>>)
      tpu.yield
    }) : () -> ()
    %iota3A = tpu.iota {dimensions = array<i32: 0>} : vector<16xi32>
    %broadcast_in_dim3A = arith.constant 0.000000e+00 : f32
    %broadcast_in_dim3A_3 = vector.broadcast %broadcast_in_dim3A : f32 to vector<16xf32>
    %add3A_4 = arith.constant 0 : i32
    %add3A_5 = arith.addi %mul3A_2, %add3A_4 : i32
    "tpu.region"() ({
      %run_scoped3A = tpu.sem_alloc : memref<!tpu.dma_semaphore, #tpu.memory_space<semaphore_mem>>
      %dma_start3A_178 = arith.constant 0 : i32
      %dma_start3A_179 = tpu.memref_slice %arg2[%add3A_5, %dma_start3A_178] : memref<16384x512xf32, #tpu.memory_space<hbm>> -> memref<64x512xf32, #tpu.memory_space<hbm>>
      %dma_start3A_180 = arith.constant 0 : i32
      %dma_start3A_181 = tpu.memref_slice %arg2[%add3A_5, %dma_start3A_180] : memref<16384x512xf32, #tpu.memory_space<hbm>> -> memref<64x512xf32, #tpu.memory_space<hbm>>
      tpu.enqueue_dma source(%dma_start3A_181 : memref<64x512xf32, #tpu.memory_space<hbm>>) target(%arg7 : memref<64x512xf32, #tpu.memory_space<vmem>>) target_semaphore(%run_scoped3A : memref<!tpu.dma_semaphore, #tpu.memory_space<semaphore_mem>>)
      %dma_wait3A_182 = arith.constant 0 : i32
      %dma_wait3A_183 = tpu.memref_slice %arg2[%add3A_5, %dma_wait3A_182] : memref<16384x512xf32, #tpu.memory_space<hbm>> -> memref<64x512xf32, #tpu.memory_space<hbm>>
      %dma_wait3A_184 = arith.constant 0 : i32
      %dma_wait3A_185 = tpu.memref_slice %arg2[%add3A_5, %dma_wait3A_184] : memref<16384x512xf32, #tpu.memory_space<hbm>> -> memref<64x512xf32, #tpu.memory_space<hbm>>
      tpu.wait_dma2 semaphore(%run_scoped3A : memref<!tpu.dma_semaphore, #tpu.memory_space<semaphore_mem>>) src(%dma_wait3A_185 : memref<64x512xf32, #tpu.memory_space<hbm>>) dst(%arg7 : memref<64x512xf32, #tpu.memory_space<vmem>>)
      tpu.yield
    }) : () -> ()
    %dma_start3A = arith.constant 0 : i32
    %dma_start3A_6 = arith.constant 0 : i32
    %dma_start3A_7 = tpu.memref_slice %arg6[%dma_start3A, %dma_start3A_6] : memref<8x64xi32, #tpu.memory_space<vmem>> -> memref<1x64xi32, #tpu.memory_space<vmem>>
    %dma_start3A_8 = tpu.memref_squeeze %dma_start3A_7 : memref<1x64xi32, #tpu.memory_space<vmem>> -> memref<64xi32, #tpu.memory_space<vmem>>
    %dma_start3A_9 = arith.constant 0 : i32
    %dma_start3A_10 = arith.constant 0 : i32
    %dma_start3A_11 = tpu.memref_slice %arg4[%dma_start3A_9, %dma_start3A_10] : memref<1000x512xf32, #tpu.memory_space<hbm>> -> memref<1000x512xf32, #tpu.memory_space<hbm>>
    tpu.enqueue_indirect_dma source(%dma_start3A_11 : memref<1000x512xf32, #tpu.memory_space<hbm>>) target(%arg8 : memref<64x512xf32, #tpu.memory_space<vmem>>) offsets(%dma_start3A_8 : memref<64xi32, #tpu.memory_space<vmem>>) semaphore(%arg10 : memref<!tpu.dma_semaphore, #tpu.memory_space<semaphore_mem>>)
    %dma_wait3A = arith.constant 0 : i32
    %dma_wait3A_12 = arith.constant 0 : i32
    %dma_wait3A_13 = tpu.memref_slice %arg6[%dma_wait3A, %dma_wait3A_12] : memref<8x64xi32, #tpu.memory_space<vmem>> -> memref<1x64xi32, #tpu.memory_space<vmem>>
    %dma_wait3A_14 = tpu.memref_squeeze %dma_wait3A_13 : memref<1x64xi32, #tpu.memory_space<vmem>> -> memref<64xi32, #tpu.memory_space<vmem>>
    %dma_wait3A_15 = arith.constant 0 : i32
    %dma_wait3A_16 = arith.constant 0 : i32
    %dma_wait3A_17 = tpu.memref_slice %arg4[%dma_wait3A_15, %dma_wait3A_16] : memref<1000x512xf32, #tpu.memory_space<hbm>> -> memref<1000x512xf32, #tpu.memory_space<hbm>>
    tpu.wait_indirect_dma semaphore(%arg10 : memref<!tpu.dma_semaphore, #tpu.memory_space<semaphore_mem>>) src(%dma_wait3A_17 : memref<1000x512xf32, #tpu.memory_space<hbm>>) dst(%arg8 : memref<64x512xf32, #tpu.memory_space<vmem>>)
    %scan3A = arith.constant 0 : i32
    %scan3A_18 = arith.constant 4 : i32
    %scan3A_19 = arith.addi %scan3A, %scan3A_18 : i32
    %scan3A_20 = arith.constant 1 : i32
    %scan3A_21 = scf.for %scan3A_178 = %scan3A to %scan3A_19 step %scan3A_20 iter_args(%scan3A_179 = %broadcast_in_dim3A_3) -> (vector<16xf32>)  : i32 {
      %mul3A_180 = arith.constant 16 : i32
      %mul3A_181 = arith.muli %scan3A_178, %mul3A_180 : i32
      %add3A_182 = vector.broadcast %mul3A_181 : i32 to vector<16xi32>
      %add3A_183 = arith.addi %add3A_182, %iota3A : vector<16xi32>
      %broadcast_in_dim3A_184 = arith.constant 0.000000e+00 : f32
      %broadcast_in_dim3A_185 = vector.broadcast %broadcast_in_dim3A_184 : f32 to vector<16xf32>
      %scan3A_186 = arith.constant 0 : i32
      %scan3A_187 = arith.constant 512 : i32
      %scan3A_188 = arith.addi %scan3A_186, %scan3A_187 : i32
      %scan3A_189 = arith.constant 1 : i32
      %scan3A_190 = scf.for %scan3A_197 = %scan3A_186 to %scan3A_188 step %scan3A_189 iter_args(%scan3A_198 = %broadcast_in_dim3A_185) -> (vector<16xf32>)  : i32 {
        %broadcast_in_dim3A_199 = arith.constant 0 : i32
        %broadcast_in_dim3A_200 = vector.broadcast %broadcast_in_dim3A_199 : i32 to vector<16xi32>
        %add3A_201 = vector.broadcast %scan3A_197 : i32 to vector<16xi32>
        %add3A_202 = arith.addi %broadcast_in_dim3A_200, %add3A_201 : vector<16xi32>
        %gather3A = tpu.vector_load_idx %arg7[%add3A_183, %add3A_202] : memref<64x512xf32, #tpu.memory_space<vmem>>[vector<16xi32>, vector<16xi32>], vector<16xf32>,
        %gather3A_203 = tpu.vector_load_idx %arg8[%add3A_183, %add3A_202] : memref<64x512xf32, #tpu.memory_space<vmem>>[vector<16xi32>, vector<16xi32>], vector<16xf32>,
        %sub3A = arith.subf %gather3A, %gather3A_203 : vector<16xf32>
        %mul3A_204 = arith.mulf %sub3A, %sub3A : vector<16xf32>
        %add3A_205 = arith.addf %scan3A_198, %mul3A_204 : vector<16xf32>
        scf.yield %add3A_205 : vector<16xf32>
      }
      %scan3A_191 = arith.constant 512 : i32
      %max3A = arith.constant 9.99999996E-13 : f32
      %max3A_192 = vector.broadcast %max3A : f32 to vector<16xf32>
      %max3A_193 = arith.maximumf %scan3A_190, %max3A_192 : vector<16xf32>
      %min3A = arith.constant 9.99999995E+11 : f32
      %min3A_194 = vector.broadcast %min3A : f32 to vector<16xf32>
      %min3A_195 = arith.minimumf %max3A_193, %min3A_194 : vector<16xf32>
      %add3A_196 = arith.addf %scan3A_179, %min3A_195 : vector<16xf32>
      scf.yield %add3A_196 : vector<16xf32>
    }
    %scan3A_22 = arith.constant 4 : i32
    %add3A_23 = arith.constant 64 : i32
    %add3A_24 = arith.addi %mul3A_2, %add3A_23 : i32
    "tpu.region"() ({
      %run_scoped3A = tpu.sem_alloc : memref<!tpu.dma_semaphore, #tpu.memory_space<semaphore_mem>>
      %dma_start3A_178 = arith.constant 0 : i32
      %dma_start3A_179 = tpu.memref_slice %arg2[%add3A_24, %dma_start3A_178] : memref<16384x512xf32, #tpu.memory_space<hbm>> -> memref<64x512xf32, #tpu.memory_space<hbm>>
      %dma_start3A_180 = arith.constant 0 : i32
      %dma_start3A_181 = tpu.memref_slice %arg2[%add3A_24, %dma_start3A_180] : memref<16384x512xf32, #tpu.memory_space<hbm>> -> memref<64x512xf32, #tpu.memory_space<hbm>>
      tpu.enqueue_dma source(%dma_start3A_181 : memref<64x512xf32, #tpu.memory_space<hbm>>) target(%arg7 : memref<64x512xf32, #tpu.memory_space<vmem>>) target_semaphore(%run_scoped3A : memref<!tpu.dma_semaphore, #tpu.memory_space<semaphore_mem>>)
      %dma_wait3A_182 = arith.constant 0 : i32
      %dma_wait3A_183 = tpu.memref_slice %arg2[%add3A_24, %dma_wait3A_182] : memref<16384x512xf32, #tpu.memory_space<hbm>> -> memref<64x512xf32, #tpu.memory_space<hbm>>
      %dma_wait3A_184 = arith.constant 0 : i32
      %dma_wait3A_185 = tpu.memref_slice %arg2[%add3A_24, %dma_wait3A_184] : memref<16384x512xf32, #tpu.memory_space<hbm>> -> memref<64x512xf32, #tpu.memory_space<hbm>>
      tpu.wait_dma2 semaphore(%run_scoped3A : memref<!tpu.dma_semaphore, #tpu.memory_space<semaphore_mem>>) src(%dma_wait3A_185 : memref<64x512xf32, #tpu.memory_space<hbm>>) dst(%arg7 : memref<64x512xf32, #tpu.memory_space<vmem>>)
      tpu.yield
    }) : () -> ()
    %dma_start3A_25 = arith.constant 1 : i32
    %dma_start3A_26 = arith.constant 0 : i32
    %dma_start3A_27 = tpu.memref_slice %arg6[%dma_start3A_25, %dma_start3A_26] : memref<8x64xi32, #tpu.memory_space<vmem>> -> memref<1x64xi32, #tpu.memory_space<vmem>>
    %dma_start3A_28 = tpu.memref_squeeze %dma_start3A_27 : memref<1x64xi32, #tpu.memory_space<vmem>> -> memref<64xi32, #tpu.memory_space<vmem>>
    %dma_start3A_29 = arith.constant 0 : i32
    %dma_start3A_30 = arith.constant 0 : i32
    %dma_start3A_31 = tpu.memref_slice %arg4[%dma_start3A_29, %dma_start3A_30] : memref<1000x512xf32, #tpu.memory_space<hbm>> -> memref<1000x512xf32, #tpu.memory_space<hbm>>
    tpu.enqueue_indirect_dma source(%dma_start3A_31 : memref<1000x512xf32, #tpu.memory_space<hbm>>) target(%arg8 : memref<64x512xf32, #tpu.memory_space<vmem>>) offsets(%dma_start3A_28 : memref<64xi32, #tpu.memory_space<vmem>>) semaphore(%arg10 : memref<!tpu.dma_semaphore, #tpu.memory_space<semaphore_mem>>)
    %dma_wait3A_32 = arith.constant 1 : i32
    %dma_wait3A_33 = arith.constant 0 : i32
    %dma_wait3A_34 = tpu.memref_slice %arg6[%dma_wait3A_32, %dma_wait3A_33] : memref<8x64xi32, #tpu.memory_space<vmem>> -> memref<1x64xi32, #tpu.memory_space<vmem>>
    %dma_wait3A_35 = tpu.memref_squeeze %dma_wait3A_34 : memref<1x64xi32, #tpu.memory_space<vmem>> -> memref<64xi32, #tpu.memory_space<vmem>>
    %dma_wait3A_36 = arith.constant 0 : i32
    %dma_wait3A_37 = arith.constant 0 : i32
    %dma_wait3A_38 = tpu.memref_slice %arg4[%dma_wait3A_36, %dma_wait3A_37] : memref<1000x512xf32, #tpu.memory_space<hbm>> -> memref<1000x512xf32, #tpu.memory_space<hbm>>
    tpu.wait_indirect_dma semaphore(%arg10 : memref<!tpu.dma_semaphore, #tpu.memory_space<semaphore_mem>>) src(%dma_wait3A_38 : memref<1000x512xf32, #tpu.memory_space<hbm>>) dst(%arg8 : memref<64x512xf32, #tpu.memory_space<vmem>>)
    %scan3A_39 = arith.constant 0 : i32
    %scan3A_40 = arith.constant 4 : i32
    %scan3A_41 = arith.addi %scan3A_39, %scan3A_40 : i32
    %scan3A_42 = arith.constant 1 : i32
    %scan3A_43 = scf.for %scan3A_178 = %scan3A_39 to %scan3A_41 step %scan3A_42 iter_args(%scan3A_179 = %scan3A_21) -> (vector<16xf32>)  : i32 {
      %mul3A_180 = arith.constant 16 : i32
      %mul3A_181 = arith.muli %scan3A_178, %mul3A_180 : i32
      %add3A_182 = vector.broadcast %mul3A_181 : i32 to vector<16xi32>
      %add3A_183 = arith.addi %add3A_182, %iota3A : vector<16xi32>
      %broadcast_in_dim3A_184 = arith.constant 0.000000e+00 : f32
      %broadcast_in_dim3A_185 = vector.broadcast %broadcast_in_dim3A_184 : f32 to vector<16xf32>
      %scan3A_186 = arith.constant 0 : i32
      %scan3A_187 = arith.constant 512 : i32
      %scan3A_188 = arith.addi %scan3A_186, %scan3A_187 : i32
      %scan3A_189 = arith.constant 1 : i32
      %scan3A_190 = scf.for %scan3A_197 = %scan3A_186 to %scan3A_188 step %scan3A_189 iter_args(%scan3A_198 = %broadcast_in_dim3A_185) -> (vector<16xf32>)  : i32 {
        %broadcast_in_dim3A_199 = arith.constant 0 : i32
        %broadcast_in_dim3A_200 = vector.broadcast %broadcast_in_dim3A_199 : i32 to vector<16xi32>
        %add3A_201 = vector.broadcast %scan3A_197 : i32 to vector<16xi32>
        %add3A_202 = arith.addi %broadcast_in_dim3A_200, %add3A_201 : vector<16xi32>
        %gather3A = tpu.vector_load_idx %arg7[%add3A_183, %add3A_202] : memref<64x512xf32, #tpu.memory_space<vmem>>[vector<16xi32>, vector<16xi32>], vector<16xf32>,
        %gather3A_203 = tpu.vector_load_idx %arg8[%add3A_183, %add3A_202] : memref<64x512xf32, #tpu.memory_space<vmem>>[vector<16xi32>, vector<16xi32>], vector<16xf32>,
        %sub3A = arith.subf %gather3A, %gather3A_203 : vector<16xf32>
        %mul3A_204 = arith.mulf %sub3A, %sub3A : vector<16xf32>
        %add3A_205 = arith.addf %scan3A_198, %mul3A_204 : vector<16xf32>
        scf.yield %add3A_205 : vector<16xf32>
      }
      %scan3A_191 = arith.constant 512 : i32
      %max3A = arith.constant 9.99999996E-13 : f32
      %max3A_192 = vector.broadcast %max3A : f32 to vector<16xf32>
      %max3A_193 = arith.maximumf %scan3A_190, %max3A_192 : vector<16xf32>
      %min3A = arith.constant 9.99999995E+11 : f32
      %min3A_194 = vector.broadcast %min3A : f32 to vector<16xf32>
      %min3A_195 = arith.minimumf %max3A_193, %min3A_194 : vector<16xf32>
      %add3A_196 = arith.addf %scan3A_179, %min3A_195 : vector<16xf32>
      scf.yield %add3A_196 : vector<16xf32>
    }
    %scan3A_44 = arith.constant 4 : i32
    %add3A_45 = arith.constant 128 : i32
    %add3A_46 = arith.addi %mul3A_2, %add3A_45 : i32
    "tpu.region"() ({
      %run_scoped3A = tpu.sem_alloc : memref<!tpu.dma_semaphore, #tpu.memory_space<semaphore_mem>>
      %dma_start3A_178 = arith.constant 0 : i32
      %dma_start3A_179 = tpu.memref_slice %arg2[%add3A_46, %dma_start3A_178] : memref<16384x512xf32, #tpu.memory_space<hbm>> -> memref<64x512xf32, #tpu.memory_space<hbm>>
      %dma_start3A_180 = arith.constant 0 : i32
      %dma_start3A_181 = tpu.memref_slice %arg2[%add3A_46, %dma_start3A_180] : memref<16384x512xf32, #tpu.memory_space<hbm>> -> memref<64x512xf32, #tpu.memory_space<hbm>>
      tpu.enqueue_dma source(%dma_start3A_181 : memref<64x512xf32, #tpu.memory_space<hbm>>) target(%arg7 : memref<64x512xf32, #tpu.memory_space<vmem>>) target_semaphore(%run_scoped3A : memref<!tpu.dma_semaphore, #tpu.memory_space<semaphore_mem>>)
      %dma_wait3A_182 = arith.constant 0 : i32
      %dma_wait3A_183 = tpu.memref_slice %arg2[%add3A_46, %dma_wait3A_182] : memref<16384x512xf32, #tpu.memory_space<hbm>> -> memref<64x512xf32, #tpu.memory_space<hbm>>
      %dma_wait3A_184 = arith.constant 0 : i32
      %dma_wait3A_185 = tpu.memref_slice %arg2[%add3A_46, %dma_wait3A_184] : memref<16384x512xf32, #tpu.memory_space<hbm>> -> memref<64x512xf32, #tpu.memory_space<hbm>>
      tpu.wait_dma2 semaphore(%run_scoped3A : memref<!tpu.dma_semaphore, #tpu.memory_space<semaphore_mem>>) src(%dma_wait3A_185 : memref<64x512xf32, #tpu.memory_space<hbm>>) dst(%arg7 : memref<64x512xf32, #tpu.memory_space<vmem>>)
      tpu.yield
    }) : () -> ()
    %dma_start3A_47 = arith.constant 2 : i32
    %dma_start3A_48 = arith.constant 0 : i32
    %dma_start3A_49 = tpu.memref_slice %arg6[%dma_start3A_47, %dma_start3A_48] : memref<8x64xi32, #tpu.memory_space<vmem>> -> memref<1x64xi32, #tpu.memory_space<vmem>>
    %dma_start3A_50 = tpu.memref_squeeze %dma_start3A_49 : memref<1x64xi32, #tpu.memory_space<vmem>> -> memref<64xi32, #tpu.memory_space<vmem>>
    %dma_start3A_51 = arith.constant 0 : i32
    %dma_start3A_52 = arith.constant 0 : i32
    %dma_start3A_53 = tpu.memref_slice %arg4[%dma_start3A_51, %dma_start3A_52] : memref<1000x512xf32, #tpu.memory_space<hbm>> -> memref<1000x512xf32, #tpu.memory_space<hbm>>
    tpu.enqueue_indirect_dma source(%dma_start3A_53 : memref<1000x512xf32, #tpu.memory_space<hbm>>) target(%arg8 : memref<64x512xf32, #tpu.memory_space<vmem>>) offsets(%dma_start3A_50 : memref<64xi32, #tpu.memory_space<vmem>>) semaphore(%arg10 : memref<!tpu.dma_semaphore, #tpu.memory_space<semaphore_mem>>)
    %dma_wait3A_54 = arith.constant 2 : i32
    %dma_wait3A_55 = arith.constant 0 : i32
    %dma_wait3A_56 = tpu.memref_slice %arg6[%dma_wait3A_54, %dma_wait3A_55] : memref<8x64xi32, #tpu.memory_space<vmem>> -> memref<1x64xi32, #tpu.memory_space<vmem>>
    %dma_wait3A_57 = tpu.memref_squeeze %dma_wait3A_56 : memref<1x64xi32, #tpu.memory_space<vmem>> -> memref<64xi32, #tpu.memory_space<vmem>>
    %dma_wait3A_58 = arith.constant 0 : i32
    %dma_wait3A_59 = arith.constant 0 : i32
    %dma_wait3A_60 = tpu.memref_slice %arg4[%dma_wait3A_58, %dma_wait3A_59] : memref<1000x512xf32, #tpu.memory_space<hbm>> -> memref<1000x512xf32, #tpu.memory_space<hbm>>
    tpu.wait_indirect_dma semaphore(%arg10 : memref<!tpu.dma_semaphore, #tpu.memory_space<semaphore_mem>>) src(%dma_wait3A_60 : memref<1000x512xf32, #tpu.memory_space<hbm>>) dst(%arg8 : memref<64x512xf32, #tpu.memory_space<vmem>>)
    %scan3A_61 = arith.constant 0 : i32
    %scan3A_62 = arith.constant 4 : i32
    %scan3A_63 = arith.addi %scan3A_61, %scan3A_62 : i32
    %scan3A_64 = arith.constant 1 : i32
    %scan3A_65 = scf.for %scan3A_178 = %scan3A_61 to %scan3A_63 step %scan3A_64 iter_args(%scan3A_179 = %scan3A_43) -> (vector<16xf32>)  : i32 {
      %mul3A_180 = arith.constant 16 : i32
      %mul3A_181 = arith.muli %scan3A_178, %mul3A_180 : i32
      %add3A_182 = vector.broadcast %mul3A_181 : i32 to vector<16xi32>
      %add3A_183 = arith.addi %add3A_182, %iota3A : vector<16xi32>
      %broadcast_in_dim3A_184 = arith.constant 0.000000e+00 : f32
      %broadcast_in_dim3A_185 = vector.broadcast %broadcast_in_dim3A_184 : f32 to vector<16xf32>
      %scan3A_186 = arith.constant 0 : i32
      %scan3A_187 = arith.constant 512 : i32
      %scan3A_188 = arith.addi %scan3A_186, %scan3A_187 : i32
      %scan3A_189 = arith.constant 1 : i32
      %scan3A_190 = scf.for %scan3A_197 = %scan3A_186 to %scan3A_188 step %scan3A_189 iter_args(%scan3A_198 = %broadcast_in_dim3A_185) -> (vector<16xf32>)  : i32 {
        %broadcast_in_dim3A_199 = arith.constant 0 : i32
        %broadcast_in_dim3A_200 = vector.broadcast %broadcast_in_dim3A_199 : i32 to vector<16xi32>
        %add3A_201 = vector.broadcast %scan3A_197 : i32 to vector<16xi32>
        %add3A_202 = arith.addi %broadcast_in_dim3A_200, %add3A_201 : vector<16xi32>
        %gather3A = tpu.vector_load_idx %arg7[%add3A_183, %add3A_202] : memref<64x512xf32, #tpu.memory_space<vmem>>[vector<16xi32>, vector<16xi32>], vector<16xf32>,
        %gather3A_203 = tpu.vector_load_idx %arg8[%add3A_183, %add3A_202] : memref<64x512xf32, #tpu.memory_space<vmem>>[vector<16xi32>, vector<16xi32>], vector<16xf32>,
        %sub3A = arith.subf %gather3A, %gather3A_203 : vector<16xf32>
        %mul3A_204 = arith.mulf %sub3A, %sub3A : vector<16xf32>
        %add3A_205 = arith.addf %scan3A_198, %mul3A_204 : vector<16xf32>
        scf.yield %add3A_205 : vector<16xf32>
      }
      %scan3A_191 = arith.constant 512 : i32
      %max3A = arith.constant 9.99999996E-13 : f32
      %max3A_192 = vector.broadcast %max3A : f32 to vector<16xf32>
      %max3A_193 = arith.maximumf %scan3A_190, %max3A_192 : vector<16xf32>
      %min3A = arith.constant 9.99999995E+11 : f32
      %min3A_194 = vector.broadcast %min3A : f32 to vector<16xf32>
      %min3A_195 = arith.minimumf %max3A_193, %min3A_194 : vector<16xf32>
      %add3A_196 = arith.addf %scan3A_179, %min3A_195 : vector<16xf32>
      scf.yield %add3A_196 : vector<16xf32>
    }
    %scan3A_66 = arith.constant 4 : i32
    %add3A_67 = arith.constant 192 : i32
    %add3A_68 = arith.addi %mul3A_2, %add3A_67 : i32
    "tpu.region"() ({
      %run_scoped3A = tpu.sem_alloc : memref<!tpu.dma_semaphore, #tpu.memory_space<semaphore_mem>>
      %dma_start3A_178 = arith.constant 0 : i32
      %dma_start3A_179 = tpu.memref_slice %arg2[%add3A_68, %dma_start3A_178] : memref<16384x512xf32, #tpu.memory_space<hbm>> -> memref<64x512xf32, #tpu.memory_space<hbm>>
      %dma_start3A_180 = arith.constant 0 : i32
      %dma_start3A_181 = tpu.memref_slice %arg2[%add3A_68, %dma_start3A_180] : memref<16384x512xf32, #tpu.memory_space<hbm>> -> memref<64x512xf32, #tpu.memory_space<hbm>>
      tpu.enqueue_dma source(%dma_start3A_181 : memref<64x512xf32, #tpu.memory_space<hbm>>) target(%arg7 : memref<64x512xf32, #tpu.memory_space<vmem>>) target_semaphore(%run_scoped3A : memref<!tpu.dma_semaphore, #tpu.memory_space<semaphore_mem>>)
      %dma_wait3A_182 = arith.constant 0 : i32
      %dma_wait3A_183 = tpu.memref_slice %arg2[%add3A_68, %dma_wait3A_182] : memref<16384x512xf32, #tpu.memory_space<hbm>> -> memref<64x512xf32, #tpu.memory_space<hbm>>
      %dma_wait3A_184 = arith.constant 0 : i32
      %dma_wait3A_185 = tpu.memref_slice %arg2[%add3A_68, %dma_wait3A_184] : memref<16384x512xf32, #tpu.memory_space<hbm>> -> memref<64x512xf32, #tpu.memory_space<hbm>>
      tpu.wait_dma2 semaphore(%run_scoped3A : memref<!tpu.dma_semaphore, #tpu.memory_space<semaphore_mem>>) src(%dma_wait3A_185 : memref<64x512xf32, #tpu.memory_space<hbm>>) dst(%arg7 : memref<64x512xf32, #tpu.memory_space<vmem>>)
      tpu.yield
    }) : () -> ()
    %dma_start3A_69 = arith.constant 3 : i32
    %dma_start3A_70 = arith.constant 0 : i32
    %dma_start3A_71 = tpu.memref_slice %arg6[%dma_start3A_69, %dma_start3A_70] : memref<8x64xi32, #tpu.memory_space<vmem>> -> memref<1x64xi32, #tpu.memory_space<vmem>>
    %dma_start3A_72 = tpu.memref_squeeze %dma_start3A_71 : memref<1x64xi32, #tpu.memory_space<vmem>> -> memref<64xi32, #tpu.memory_space<vmem>>
    %dma_start3A_73 = arith.constant 0 : i32
    %dma_start3A_74 = arith.constant 0 : i32
    %dma_start3A_75 = tpu.memref_slice %arg4[%dma_start3A_73, %dma_start3A_74] : memref<1000x512xf32, #tpu.memory_space<hbm>> -> memref<1000x512xf32, #tpu.memory_space<hbm>>
    tpu.enqueue_indirect_dma source(%dma_start3A_75 : memref<1000x512xf32, #tpu.memory_space<hbm>>) target(%arg8 : memref<64x512xf32, #tpu.memory_space<vmem>>) offsets(%dma_start3A_72 : memref<64xi32, #tpu.memory_space<vmem>>) semaphore(%arg10 : memref<!tpu.dma_semaphore, #tpu.memory_space<semaphore_mem>>)
    %dma_wait3A_76 = arith.constant 3 : i32
    %dma_wait3A_77 = arith.constant 0 : i32
    %dma_wait3A_78 = tpu.memref_slice %arg6[%dma_wait3A_76, %dma_wait3A_77] : memref<8x64xi32, #tpu.memory_space<vmem>> -> memref<1x64xi32, #tpu.memory_space<vmem>>
    %dma_wait3A_79 = tpu.memref_squeeze %dma_wait3A_78 : memref<1x64xi32, #tpu.memory_space<vmem>> -> memref<64xi32, #tpu.memory_space<vmem>>
    %dma_wait3A_80 = arith.constant 0 : i32
    %dma_wait3A_81 = arith.constant 0 : i32
    %dma_wait3A_82 = tpu.memref_slice %arg4[%dma_wait3A_80, %dma_wait3A_81] : memref<1000x512xf32, #tpu.memory_space<hbm>> -> memref<1000x512xf32, #tpu.memory_space<hbm>>
    tpu.wait_indirect_dma semaphore(%arg10 : memref<!tpu.dma_semaphore, #tpu.memory_space<semaphore_mem>>) src(%dma_wait3A_82 : memref<1000x512xf32, #tpu.memory_space<hbm>>) dst(%arg8 : memref<64x512xf32, #tpu.memory_space<vmem>>)
    %scan3A_83 = arith.constant 0 : i32
    %scan3A_84 = arith.constant 4 : i32
    %scan3A_85 = arith.addi %scan3A_83, %scan3A_84 : i32
    %scan3A_86 = arith.constant 1 : i32
    %scan3A_87 = scf.for %scan3A_178 = %scan3A_83 to %scan3A_85 step %scan3A_86 iter_args(%scan3A_179 = %scan3A_65) -> (vector<16xf32>)  : i32 {
      %mul3A_180 = arith.constant 16 : i32
      %mul3A_181 = arith.muli %scan3A_178, %mul3A_180 : i32
      %add3A_182 = vector.broadcast %mul3A_181 : i32 to vector<16xi32>
      %add3A_183 = arith.addi %add3A_182, %iota3A : vector<16xi32>
      %broadcast_in_dim3A_184 = arith.constant 0.000000e+00 : f32
      %broadcast_in_dim3A_185 = vector.broadcast %broadcast_in_dim3A_184 : f32 to vector<16xf32>
      %scan3A_186 = arith.constant 0 : i32
      %scan3A_187 = arith.constant 512 : i32
      %scan3A_188 = arith.addi %scan3A_186, %scan3A_187 : i32
      %scan3A_189 = arith.constant 1 : i32
      %scan3A_190 = scf.for %scan3A_197 = %scan3A_186 to %scan3A_188 step %scan3A_189 iter_args(%scan3A_198 = %broadcast_in_dim3A_185) -> (vector<16xf32>)  : i32 {
        %broadcast_in_dim3A_199 = arith.constant 0 : i32
        %broadcast_in_dim3A_200 = vector.broadcast %broadcast_in_dim3A_199 : i32 to vector<16xi32>
        %add3A_201 = vector.broadcast %scan3A_197 : i32 to vector<16xi32>
        %add3A_202 = arith.addi %broadcast_in_dim3A_200, %add3A_201 : vector<16xi32>
        %gather3A = tpu.vector_load_idx %arg7[%add3A_183, %add3A_202] : memref<64x512xf32, #tpu.memory_space<vmem>>[vector<16xi32>, vector<16xi32>], vector<16xf32>,
        %gather3A_203 = tpu.vector_load_idx %arg8[%add3A_183, %add3A_202] : memref<64x512xf32, #tpu.memory_space<vmem>>[vector<16xi32>, vector<16xi32>], vector<16xf32>,
        %sub3A = arith.subf %gather3A, %gather3A_203 : vector<16xf32>
        %mul3A_204 = arith.mulf %sub3A, %sub3A : vector<16xf32>
        %add3A_205 = arith.addf %scan3A_198, %mul3A_204 : vector<16xf32>
        scf.yield %add3A_205 : vector<16xf32>
      }
      %scan3A_191 = arith.constant 512 : i32
      %max3A = arith.constant 9.99999996E-13 : f32
      %max3A_192 = vector.broadcast %max3A : f32 to vector<16xf32>
      %max3A_193 = arith.maximumf %scan3A_190, %max3A_192 : vector<16xf32>
      %min3A = arith.constant 9.99999995E+11 : f32
      %min3A_194 = vector.broadcast %min3A : f32 to vector<16xf32>
      %min3A_195 = arith.minimumf %max3A_193, %min3A_194 : vector<16xf32>
      %add3A_196 = arith.addf %scan3A_179, %min3A_195 : vector<16xf32>
      scf.yield %add3A_196 : vector<16xf32>
    }
    %scan3A_88 = arith.constant 4 : i32
    %add3A_89 = arith.constant 256 : i32
    %add3A_90 = arith.addi %mul3A_2, %add3A_89 : i32
    "tpu.region"() ({
      %run_scoped3A = tpu.sem_alloc : memref<!tpu.dma_semaphore, #tpu.memory_space<semaphore_mem>>
      %dma_start3A_178 = arith.constant 0 : i32
      %dma_start3A_179 = tpu.memref_slice %arg2[%add3A_90, %dma_start3A_178] : memref<16384x512xf32, #tpu.memory_space<hbm>> -> memref<64x512xf32, #tpu.memory_space<hbm>>
      %dma_start3A_180 = arith.constant 0 : i32
      %dma_start3A_181 = tpu.memref_slice %arg2[%add3A_90, %dma_start3A_180] : memref<16384x512xf32, #tpu.memory_space<hbm>> -> memref<64x512xf32, #tpu.memory_space<hbm>>
      tpu.enqueue_dma source(%dma_start3A_181 : memref<64x512xf32, #tpu.memory_space<hbm>>) target(%arg7 : memref<64x512xf32, #tpu.memory_space<vmem>>) target_semaphore(%run_scoped3A : memref<!tpu.dma_semaphore, #tpu.memory_space<semaphore_mem>>)
      %dma_wait3A_182 = arith.constant 0 : i32
      %dma_wait3A_183 = tpu.memref_slice %arg2[%add3A_90, %dma_wait3A_182] : memref<16384x512xf32, #tpu.memory_space<hbm>> -> memref<64x512xf32, #tpu.memory_space<hbm>>
      %dma_wait3A_184 = arith.constant 0 : i32
      %dma_wait3A_185 = tpu.memref_slice %arg2[%add3A_90, %dma_wait3A_184] : memref<16384x512xf32, #tpu.memory_space<hbm>> -> memref<64x512xf32, #tpu.memory_space<hbm>>
      tpu.wait_dma2 semaphore(%run_scoped3A : memref<!tpu.dma_semaphore, #tpu.memory_space<semaphore_mem>>) src(%dma_wait3A_185 : memref<64x512xf32, #tpu.memory_space<hbm>>) dst(%arg7 : memref<64x512xf32, #tpu.memory_space<vmem>>)
      tpu.yield
    }) : () -> ()
    %dma_start3A_91 = arith.constant 4 : i32
    %dma_start3A_92 = arith.constant 0 : i32
    %dma_start3A_93 = tpu.memref_slice %arg6[%dma_start3A_91, %dma_start3A_92] : memref<8x64xi32, #tpu.memory_space<vmem>> -> memref<1x64xi32, #tpu.memory_space<vmem>>
    %dma_start3A_94 = tpu.memref_squeeze %dma_start3A_93 : memref<1x64xi32, #tpu.memory_space<vmem>> -> memref<64xi32, #tpu.memory_space<vmem>>
    %dma_start3A_95 = arith.constant 0 : i32
    %dma_start3A_96 = arith.constant 0 : i32
    %dma_start3A_97 = tpu.memref_slice %arg4[%dma_start3A_95, %dma_start3A_96] : memref<1000x512xf32, #tpu.memory_space<hbm>> -> memref<1000x512xf32, #tpu.memory_space<hbm>>
    tpu.enqueue_indirect_dma source(%dma_start3A_97 : memref<1000x512xf32, #tpu.memory_space<hbm>>) target(%arg8 : memref<64x512xf32, #tpu.memory_space<vmem>>) offsets(%dma_start3A_94 : memref<64xi32, #tpu.memory_space<vmem>>) semaphore(%arg10 : memref<!tpu.dma_semaphore, #tpu.memory_space<semaphore_mem>>)
    %dma_wait3A_98 = arith.constant 4 : i32
    %dma_wait3A_99 = arith.constant 0 : i32
    %dma_wait3A_100 = tpu.memref_slice %arg6[%dma_wait3A_98, %dma_wait3A_99] : memref<8x64xi32, #tpu.memory_space<vmem>> -> memref<1x64xi32, #tpu.memory_space<vmem>>
    %dma_wait3A_101 = tpu.memref_squeeze %dma_wait3A_100 : memref<1x64xi32, #tpu.memory_space<vmem>> -> memref<64xi32, #tpu.memory_space<vmem>>
    %dma_wait3A_102 = arith.constant 0 : i32
    %dma_wait3A_103 = arith.constant 0 : i32
    %dma_wait3A_104 = tpu.memref_slice %arg4[%dma_wait3A_102, %dma_wait3A_103] : memref<1000x512xf32, #tpu.memory_space<hbm>> -> memref<1000x512xf32, #tpu.memory_space<hbm>>
    tpu.wait_indirect_dma semaphore(%arg10 : memref<!tpu.dma_semaphore, #tpu.memory_space<semaphore_mem>>) src(%dma_wait3A_104 : memref<1000x512xf32, #tpu.memory_space<hbm>>) dst(%arg8 : memref<64x512xf32, #tpu.memory_space<vmem>>)
    %scan3A_105 = arith.constant 0 : i32
    %scan3A_106 = arith.constant 4 : i32
    %scan3A_107 = arith.addi %scan3A_105, %scan3A_106 : i32
    %scan3A_108 = arith.constant 1 : i32
    %scan3A_109 = scf.for %scan3A_178 = %scan3A_105 to %scan3A_107 step %scan3A_108 iter_args(%scan3A_179 = %scan3A_87) -> (vector<16xf32>)  : i32 {
      %mul3A_180 = arith.constant 16 : i32
      %mul3A_181 = arith.muli %scan3A_178, %mul3A_180 : i32
      %add3A_182 = vector.broadcast %mul3A_181 : i32 to vector<16xi32>
      %add3A_183 = arith.addi %add3A_182, %iota3A : vector<16xi32>
      %broadcast_in_dim3A_184 = arith.constant 0.000000e+00 : f32
      %broadcast_in_dim3A_185 = vector.broadcast %broadcast_in_dim3A_184 : f32 to vector<16xf32>
      %scan3A_186 = arith.constant 0 : i32
      %scan3A_187 = arith.constant 512 : i32
      %scan3A_188 = arith.addi %scan3A_186, %scan3A_187 : i32
      %scan3A_189 = arith.constant 1 : i32
      %scan3A_190 = scf.for %scan3A_197 = %scan3A_186 to %scan3A_188 step %scan3A_189 iter_args(%scan3A_198 = %broadcast_in_dim3A_185) -> (vector<16xf32>)  : i32 {
        %broadcast_in_dim3A_199 = arith.constant 0 : i32
        %broadcast_in_dim3A_200 = vector.broadcast %broadcast_in_dim3A_199 : i32 to vector<16xi32>
        %add3A_201 = vector.broadcast %scan3A_197 : i32 to vector<16xi32>
        %add3A_202 = arith.addi %broadcast_in_dim3A_200, %add3A_201 : vector<16xi32>
        %gather3A = tpu.vector_load_idx %arg7[%add3A_183, %add3A_202] : memref<64x512xf32, #tpu.memory_space<vmem>>[vector<16xi32>, vector<16xi32>], vector<16xf32>,
        %gather3A_203 = tpu.vector_load_idx %arg8[%add3A_183, %add3A_202] : memref<64x512xf32, #tpu.memory_space<vmem>>[vector<16xi32>, vector<16xi32>], vector<16xf32>,
        %sub3A = arith.subf %gather3A, %gather3A_203 : vector<16xf32>
        %mul3A_204 = arith.mulf %sub3A, %sub3A : vector<16xf32>
        %add3A_205 = arith.addf %scan3A_198, %mul3A_204 : vector<16xf32>
        scf.yield %add3A_205 : vector<16xf32>
      }
      %scan3A_191 = arith.constant 512 : i32
      %max3A = arith.constant 9.99999996E-13 : f32
      %max3A_192 = vector.broadcast %max3A : f32 to vector<16xf32>
      %max3A_193 = arith.maximumf %scan3A_190, %max3A_192 : vector<16xf32>
      %min3A = arith.constant 9.99999995E+11 : f32
      %min3A_194 = vector.broadcast %min3A : f32 to vector<16xf32>
      %min3A_195 = arith.minimumf %max3A_193, %min3A_194 : vector<16xf32>
      %add3A_196 = arith.addf %scan3A_179, %min3A_195 : vector<16xf32>
      scf.yield %add3A_196 : vector<16xf32>
    }
    %scan3A_110 = arith.constant 4 : i32
    %add3A_111 = arith.constant 320 : i32
    %add3A_112 = arith.addi %mul3A_2, %add3A_111 : i32
    "tpu.region"() ({
      %run_scoped3A = tpu.sem_alloc : memref<!tpu.dma_semaphore, #tpu.memory_space<semaphore_mem>>
      %dma_start3A_178 = arith.constant 0 : i32
      %dma_start3A_179 = tpu.memref_slice %arg2[%add3A_112, %dma_start3A_178] : memref<16384x512xf32, #tpu.memory_space<hbm>> -> memref<64x512xf32, #tpu.memory_space<hbm>>
      %dma_start3A_180 = arith.constant 0 : i32
      %dma_start3A_181 = tpu.memref_slice %arg2[%add3A_112, %dma_start3A_180] : memref<16384x512xf32, #tpu.memory_space<hbm>> -> memref<64x512xf32, #tpu.memory_space<hbm>>
      tpu.enqueue_dma source(%dma_start3A_181 : memref<64x512xf32, #tpu.memory_space<hbm>>) target(%arg7 : memref<64x512xf32, #tpu.memory_space<vmem>>) target_semaphore(%run_scoped3A : memref<!tpu.dma_semaphore, #tpu.memory_space<semaphore_mem>>)
      %dma_wait3A_182 = arith.constant 0 : i32
      %dma_wait3A_183 = tpu.memref_slice %arg2[%add3A_112, %dma_wait3A_182] : memref<16384x512xf32, #tpu.memory_space<hbm>> -> memref<64x512xf32, #tpu.memory_space<hbm>>
      %dma_wait3A_184 = arith.constant 0 : i32
      %dma_wait3A_185 = tpu.memref_slice %arg2[%add3A_112, %dma_wait3A_184] : memref<16384x512xf32, #tpu.memory_space<hbm>> -> memref<64x512xf32, #tpu.memory_space<hbm>>
      tpu.wait_dma2 semaphore(%run_scoped3A : memref<!tpu.dma_semaphore, #tpu.memory_space<semaphore_mem>>) src(%dma_wait3A_185 : memref<64x512xf32, #tpu.memory_space<hbm>>) dst(%arg7 : memref<64x512xf32, #tpu.memory_space<vmem>>)
      tpu.yield
    }) : () -> ()
    %dma_start3A_113 = arith.constant 5 : i32
    %dma_start3A_114 = arith.constant 0 : i32
    %dma_start3A_115 = tpu.memref_slice %arg6[%dma_start3A_113, %dma_start3A_114] : memref<8x64xi32, #tpu.memory_space<vmem>> -> memref<1x64xi32, #tpu.memory_space<vmem>>
    %dma_start3A_116 = tpu.memref_squeeze %dma_start3A_115 : memref<1x64xi32, #tpu.memory_space<vmem>> -> memref<64xi32, #tpu.memory_space<vmem>>
    %dma_start3A_117 = arith.constant 0 : i32
    %dma_start3A_118 = arith.constant 0 : i32
    %dma_start3A_119 = tpu.memref_slice %arg4[%dma_start3A_117, %dma_start3A_118] : memref<1000x512xf32, #tpu.memory_space<hbm>> -> memref<1000x512xf32, #tpu.memory_space<hbm>>
    tpu.enqueue_indirect_dma source(%dma_start3A_119 : memref<1000x512xf32, #tpu.memory_space<hbm>>) target(%arg8 : memref<64x512xf32, #tpu.memory_space<vmem>>) offsets(%dma_start3A_116 : memref<64xi32, #tpu.memory_space<vmem>>) semaphore(%arg10 : memref<!tpu.dma_semaphore, #tpu.memory_space<semaphore_mem>>)
    %dma_wait3A_120 = arith.constant 5 : i32
    %dma_wait3A_121 = arith.constant 0 : i32
    %dma_wait3A_122 = tpu.memref_slice %arg6[%dma_wait3A_120, %dma_wait3A_121] : memref<8x64xi32, #tpu.memory_space<vmem>> -> memref<1x64xi32, #tpu.memory_space<vmem>>
    %dma_wait3A_123 = tpu.memref_squeeze %dma_wait3A_122 : memref<1x64xi32, #tpu.memory_space<vmem>> -> memref<64xi32, #tpu.memory_space<vmem>>
    %dma_wait3A_124 = arith.constant 0 : i32
    %dma_wait3A_125 = arith.constant 0 : i32
    %dma_wait3A_126 = tpu.memref_slice %arg4[%dma_wait3A_124, %dma_wait3A_125] : memref<1000x512xf32, #tpu.memory_space<hbm>> -> memref<1000x512xf32, #tpu.memory_space<hbm>>
    tpu.wait_indirect_dma semaphore(%arg10 : memref<!tpu.dma_semaphore, #tpu.memory_space<semaphore_mem>>) src(%dma_wait3A_126 : memref<1000x512xf32, #tpu.memory_space<hbm>>) dst(%arg8 : memref<64x512xf32, #tpu.memory_space<vmem>>)
    %scan3A_127 = arith.constant 0 : i32
    %scan3A_128 = arith.constant 4 : i32
    %scan3A_129 = arith.addi %scan3A_127, %scan3A_128 : i32
    %scan3A_130 = arith.constant 1 : i32
    %scan3A_131 = scf.for %scan3A_178 = %scan3A_127 to %scan3A_129 step %scan3A_130 iter_args(%scan3A_179 = %scan3A_109) -> (vector<16xf32>)  : i32 {
      %mul3A_180 = arith.constant 16 : i32
      %mul3A_181 = arith.muli %scan3A_178, %mul3A_180 : i32
      %add3A_182 = vector.broadcast %mul3A_181 : i32 to vector<16xi32>
      %add3A_183 = arith.addi %add3A_182, %iota3A : vector<16xi32>
      %broadcast_in_dim3A_184 = arith.constant 0.000000e+00 : f32
      %broadcast_in_dim3A_185 = vector.broadcast %broadcast_in_dim3A_184 : f32 to vector<16xf32>
      %scan3A_186 = arith.constant 0 : i32
      %scan3A_187 = arith.constant 512 : i32
      %scan3A_188 = arith.addi %scan3A_186, %scan3A_187 : i32
      %scan3A_189 = arith.constant 1 : i32
      %scan3A_190 = scf.for %scan3A_197 = %scan3A_186 to %scan3A_188 step %scan3A_189 iter_args(%scan3A_198 = %broadcast_in_dim3A_185) -> (vector<16xf32>)  : i32 {
        %broadcast_in_dim3A_199 = arith.constant 0 : i32
        %broadcast_in_dim3A_200 = vector.broadcast %broadcast_in_dim3A_199 : i32 to vector<16xi32>
        %add3A_201 = vector.broadcast %scan3A_197 : i32 to vector<16xi32>
        %add3A_202 = arith.addi %broadcast_in_dim3A_200, %add3A_201 : vector<16xi32>
        %gather3A = tpu.vector_load_idx %arg7[%add3A_183, %add3A_202] : memref<64x512xf32, #tpu.memory_space<vmem>>[vector<16xi32>, vector<16xi32>], vector<16xf32>,
        %gather3A_203 = tpu.vector_load_idx %arg8[%add3A_183, %add3A_202] : memref<64x512xf32, #tpu.memory_space<vmem>>[vector<16xi32>, vector<16xi32>], vector<16xf32>,
        %sub3A = arith.subf %gather3A, %gather3A_203 : vector<16xf32>
        %mul3A_204 = arith.mulf %sub3A, %sub3A : vector<16xf32>
        %add3A_205 = arith.addf %scan3A_198, %mul3A_204 : vector<16xf32>
        scf.yield %add3A_205 : vector<16xf32>
      }
      %scan3A_191 = arith.constant 512 : i32
      %max3A = arith.constant 9.99999996E-13 : f32
      %max3A_192 = vector.broadcast %max3A : f32 to vector<16xf32>
      %max3A_193 = arith.maximumf %scan3A_190, %max3A_192 : vector<16xf32>
      %min3A = arith.constant 9.99999995E+11 : f32
      %min3A_194 = vector.broadcast %min3A : f32 to vector<16xf32>
      %min3A_195 = arith.minimumf %max3A_193, %min3A_194 : vector<16xf32>
      %add3A_196 = arith.addf %scan3A_179, %min3A_195 : vector<16xf32>
      scf.yield %add3A_196 : vector<16xf32>
    }
    %scan3A_132 = arith.constant 4 : i32
    %add3A_133 = arith.constant 384 : i32
    %add3A_134 = arith.addi %mul3A_2, %add3A_133 : i32
    "tpu.region"() ({
      %run_scoped3A = tpu.sem_alloc : memref<!tpu.dma_semaphore, #tpu.memory_space<semaphore_mem>>
      %dma_start3A_178 = arith.constant 0 : i32
      %dma_start3A_179 = tpu.memref_slice %arg2[%add3A_134, %dma_start3A_178] : memref<16384x512xf32, #tpu.memory_space<hbm>> -> memref<64x512xf32, #tpu.memory_space<hbm>>
      %dma_start3A_180 = arith.constant 0 : i32
      %dma_start3A_181 = tpu.memref_slice %arg2[%add3A_134, %dma_start3A_180] : memref<16384x512xf32, #tpu.memory_space<hbm>> -> memref<64x512xf32, #tpu.memory_space<hbm>>
      tpu.enqueue_dma source(%dma_start3A_181 : memref<64x512xf32, #tpu.memory_space<hbm>>) target(%arg7 : memref<64x512xf32, #tpu.memory_space<vmem>>) target_semaphore(%run_scoped3A : memref<!tpu.dma_semaphore, #tpu.memory_space<semaphore_mem>>)
      %dma_wait3A_182 = arith.constant 0 : i32
      %dma_wait3A_183 = tpu.memref_slice %arg2[%add3A_134, %dma_wait3A_182] : memref<16384x512xf32, #tpu.memory_space<hbm>> -> memref<64x512xf32, #tpu.memory_space<hbm>>
      %dma_wait3A_184 = arith.constant 0 : i32
      %dma_wait3A_185 = tpu.memref_slice %arg2[%add3A_134, %dma_wait3A_184] : memref<16384x512xf32, #tpu.memory_space<hbm>> -> memref<64x512xf32, #tpu.memory_space<hbm>>
      tpu.wait_dma2 semaphore(%run_scoped3A : memref<!tpu.dma_semaphore, #tpu.memory_space<semaphore_mem>>) src(%dma_wait3A_185 : memref<64x512xf32, #tpu.memory_space<hbm>>) dst(%arg7 : memref<64x512xf32, #tpu.memory_space<vmem>>)
      tpu.yield
    }) : () -> ()
    %dma_start3A_135 = arith.constant 6 : i32
    %dma_start3A_136 = arith.constant 0 : i32
    %dma_start3A_137 = tpu.memref_slice %arg6[%dma_start3A_135, %dma_start3A_136] : memref<8x64xi32, #tpu.memory_space<vmem>> -> memref<1x64xi32, #tpu.memory_space<vmem>>
    %dma_start3A_138 = tpu.memref_squeeze %dma_start3A_137 : memref<1x64xi32, #tpu.memory_space<vmem>> -> memref<64xi32, #tpu.memory_space<vmem>>
    %dma_start3A_139 = arith.constant 0 : i32
    %dma_start3A_140 = arith.constant 0 : i32
    %dma_start3A_141 = tpu.memref_slice %arg4[%dma_start3A_139, %dma_start3A_140] : memref<1000x512xf32, #tpu.memory_space<hbm>> -> memref<1000x512xf32, #tpu.memory_space<hbm>>
    tpu.enqueue_indirect_dma source(%dma_start3A_141 : memref<1000x512xf32, #tpu.memory_space<hbm>>) target(%arg8 : memref<64x512xf32, #tpu.memory_space<vmem>>) offsets(%dma_start3A_138 : memref<64xi32, #tpu.memory_space<vmem>>) semaphore(%arg10 : memref<!tpu.dma_semaphore, #tpu.memory_space<semaphore_mem>>)
    %dma_wait3A_142 = arith.constant 6 : i32
    %dma_wait3A_143 = arith.constant 0 : i32
    %dma_wait3A_144 = tpu.memref_slice %arg6[%dma_wait3A_142, %dma_wait3A_143] : memref<8x64xi32, #tpu.memory_space<vmem>> -> memref<1x64xi32, #tpu.memory_space<vmem>>
    %dma_wait3A_145 = tpu.memref_squeeze %dma_wait3A_144 : memref<1x64xi32, #tpu.memory_space<vmem>> -> memref<64xi32, #tpu.memory_space<vmem>>
    %dma_wait3A_146 = arith.constant 0 : i32
    %dma_wait3A_147 = arith.constant 0 : i32
    %dma_wait3A_148 = tpu.memref_slice %arg4[%dma_wait3A_146, %dma_wait3A_147] : memref<1000x512xf32, #tpu.memory_space<hbm>> -> memref<1000x512xf32, #tpu.memory_space<hbm>>
    tpu.wait_indirect_dma semaphore(%arg10 : memref<!tpu.dma_semaphore, #tpu.memory_space<semaphore_mem>>) src(%dma_wait3A_148 : memref<1000x512xf32, #tpu.memory_space<hbm>>) dst(%arg8 : memref<64x512xf32, #tpu.memory_space<vmem>>)
    %scan3A_149 = arith.constant 0 : i32
    %scan3A_150 = arith.constant 4 : i32
    %scan3A_151 = arith.addi %scan3A_149, %scan3A_150 : i32
    %scan3A_152 = arith.constant 1 : i32
    %scan3A_153 = scf.for %scan3A_178 = %scan3A_149 to %scan3A_151 step %scan3A_152 iter_args(%scan3A_179 = %scan3A_131) -> (vector<16xf32>)  : i32 {
      %mul3A_180 = arith.constant 16 : i32
      %mul3A_181 = arith.muli %scan3A_178, %mul3A_180 : i32
      %add3A_182 = vector.broadcast %mul3A_181 : i32 to vector<16xi32>
      %add3A_183 = arith.addi %add3A_182, %iota3A : vector<16xi32>
      %broadcast_in_dim3A_184 = arith.constant 0.000000e+00 : f32
      %broadcast_in_dim3A_185 = vector.broadcast %broadcast_in_dim3A_184 : f32 to vector<16xf32>
      %scan3A_186 = arith.constant 0 : i32
      %scan3A_187 = arith.constant 512 : i32
      %scan3A_188 = arith.addi %scan3A_186, %scan3A_187 : i32
      %scan3A_189 = arith.constant 1 : i32
      %scan3A_190 = scf.for %scan3A_197 = %scan3A_186 to %scan3A_188 step %scan3A_189 iter_args(%scan3A_198 = %broadcast_in_dim3A_185) -> (vector<16xf32>)  : i32 {
        %broadcast_in_dim3A_199 = arith.constant 0 : i32
        %broadcast_in_dim3A_200 = vector.broadcast %broadcast_in_dim3A_199 : i32 to vector<16xi32>
        %add3A_201 = vector.broadcast %scan3A_197 : i32 to vector<16xi32>
        %add3A_202 = arith.addi %broadcast_in_dim3A_200, %add3A_201 : vector<16xi32>
        %gather3A = tpu.vector_load_idx %arg7[%add3A_183, %add3A_202] : memref<64x512xf32, #tpu.memory_space<vmem>>[vector<16xi32>, vector<16xi32>], vector<16xf32>,
        %gather3A_203 = tpu.vector_load_idx %arg8[%add3A_183, %add3A_202] : memref<64x512xf32, #tpu.memory_space<vmem>>[vector<16xi32>, vector<16xi32>], vector<16xf32>,
        %sub3A = arith.subf %gather3A, %gather3A_203 : vector<16xf32>
        %mul3A_204 = arith.mulf %sub3A, %sub3A : vector<16xf32>
        %add3A_205 = arith.addf %scan3A_198, %mul3A_204 : vector<16xf32>
        scf.yield %add3A_205 : vector<16xf32>
      }
      %scan3A_191 = arith.constant 512 : i32
      %max3A = arith.constant 9.99999996E-13 : f32
      %max3A_192 = vector.broadcast %max3A : f32 to vector<16xf32>
      %max3A_193 = arith.maximumf %scan3A_190, %max3A_192 : vector<16xf32>
      %min3A = arith.constant 9.99999995E+11 : f32
      %min3A_194 = vector.broadcast %min3A : f32 to vector<16xf32>
      %min3A_195 = arith.minimumf %max3A_193, %min3A_194 : vector<16xf32>
      %add3A_196 = arith.addf %scan3A_179, %min3A_195 : vector<16xf32>
      scf.yield %add3A_196 : vector<16xf32>
    }
    %scan3A_154 = arith.constant 4 : i32
    %add3A_155 = arith.constant 448 : i32
    %add3A_156 = arith.addi %mul3A_2, %add3A_155 : i32
    "tpu.region"() ({
      %run_scoped3A = tpu.sem_alloc : memref<!tpu.dma_semaphore, #tpu.memory_space<semaphore_mem>>
      %dma_start3A_178 = arith.constant 0 : i32
      %dma_start3A_179 = tpu.memref_slice %arg2[%add3A_156, %dma_start3A_178] : memref<16384x512xf32, #tpu.memory_space<hbm>> -> memref<64x512xf32, #tpu.memory_space<hbm>>
      %dma_start3A_180 = arith.constant 0 : i32
      %dma_start3A_181 = tpu.memref_slice %arg2[%add3A_156, %dma_start3A_180] : memref<16384x512xf32, #tpu.memory_space<hbm>> -> memref<64x512xf32, #tpu.memory_space<hbm>>
      tpu.enqueue_dma source(%dma_start3A_181 : memref<64x512xf32, #tpu.memory_space<hbm>>) target(%arg7 : memref<64x512xf32, #tpu.memory_space<vmem>>) target_semaphore(%run_scoped3A : memref<!tpu.dma_semaphore, #tpu.memory_space<semaphore_mem>>)
      %dma_wait3A_182 = arith.constant 0 : i32
      %dma_wait3A_183 = tpu.memref_slice %arg2[%add3A_156, %dma_wait3A_182] : memref<16384x512xf32, #tpu.memory_space<hbm>> -> memref<64x512xf32, #tpu.memory_space<hbm>>
      %dma_wait3A_184 = arith.constant 0 : i32
      %dma_wait3A_185 = tpu.memref_slice %arg2[%add3A_156, %dma_wait3A_184] : memref<16384x512xf32, #tpu.memory_space<hbm>> -> memref<64x512xf32, #tpu.memory_space<hbm>>
      tpu.wait_dma2 semaphore(%run_scoped3A : memref<!tpu.dma_semaphore, #tpu.memory_space<semaphore_mem>>) src(%dma_wait3A_185 : memref<64x512xf32, #tpu.memory_space<hbm>>) dst(%arg7 : memref<64x512xf32, #tpu.memory_space<vmem>>)
      tpu.yield
    }) : () -> ()
    %dma_start3A_157 = arith.constant 7 : i32
    %dma_start3A_158 = arith.constant 0 : i32
    %dma_start3A_159 = tpu.memref_slice %arg6[%dma_start3A_157, %dma_start3A_158] : memref<8x64xi32, #tpu.memory_space<vmem>> -> memref<1x64xi32, #tpu.memory_space<vmem>>
    %dma_start3A_160 = tpu.memref_squeeze %dma_start3A_159 : memref<1x64xi32, #tpu.memory_space<vmem>> -> memref<64xi32, #tpu.memory_space<vmem>>
    %dma_start3A_161 = arith.constant 0 : i32
    %dma_start3A_162 = arith.constant 0 : i32
    %dma_start3A_163 = tpu.memref_slice %arg4[%dma_start3A_161, %dma_start3A_162] : memref<1000x512xf32, #tpu.memory_space<hbm>> -> memref<1000x512xf32, #tpu.memory_space<hbm>>
    tpu.enqueue_indirect_dma source(%dma_start3A_163 : memref<1000x512xf32, #tpu.memory_space<hbm>>) target(%arg8 : memref<64x512xf32, #tpu.memory_space<vmem>>) offsets(%dma_start3A_160 : memref<64xi32, #tpu.memory_space<vmem>>) semaphore(%arg10 : memref<!tpu.dma_semaphore, #tpu.memory_space<semaphore_mem>>)
    %dma_wait3A_164 = arith.constant 7 : i32
    %dma_wait3A_165 = arith.constant 0 : i32
    %dma_wait3A_166 = tpu.memref_slice %arg6[%dma_wait3A_164, %dma_wait3A_165] : memref<8x64xi32, #tpu.memory_space<vmem>> -> memref<1x64xi32, #tpu.memory_space<vmem>>
    %dma_wait3A_167 = tpu.memref_squeeze %dma_wait3A_166 : memref<1x64xi32, #tpu.memory_space<vmem>> -> memref<64xi32, #tpu.memory_space<vmem>>
    %dma_wait3A_168 = arith.constant 0 : i32
    %dma_wait3A_169 = arith.constant 0 : i32
    %dma_wait3A_170 = tpu.memref_slice %arg4[%dma_wait3A_168, %dma_wait3A_169] : memref<1000x512xf32, #tpu.memory_space<hbm>> -> memref<1000x512xf32, #tpu.memory_space<hbm>>
    tpu.wait_indirect_dma semaphore(%arg10 : memref<!tpu.dma_semaphore, #tpu.memory_space<semaphore_mem>>) src(%dma_wait3A_170 : memref<1000x512xf32, #tpu.memory_space<hbm>>) dst(%arg8 : memref<64x512xf32, #tpu.memory_space<vmem>>)
    %scan3A_171 = arith.constant 0 : i32
    %scan3A_172 = arith.constant 4 : i32
    %scan3A_173 = arith.addi %scan3A_171, %scan3A_172 : i32
    %scan3A_174 = arith.constant 1 : i32
    %scan3A_175 = scf.for %scan3A_178 = %scan3A_171 to %scan3A_173 step %scan3A_174 iter_args(%scan3A_179 = %scan3A_153) -> (vector<16xf32>)  : i32 {
      %mul3A_180 = arith.constant 16 : i32
      %mul3A_181 = arith.muli %scan3A_178, %mul3A_180 : i32
      %add3A_182 = vector.broadcast %mul3A_181 : i32 to vector<16xi32>
      %add3A_183 = arith.addi %add3A_182, %iota3A : vector<16xi32>
      %broadcast_in_dim3A_184 = arith.constant 0.000000e+00 : f32
      %broadcast_in_dim3A_185 = vector.broadcast %broadcast_in_dim3A_184 : f32 to vector<16xf32>
      %scan3A_186 = arith.constant 0 : i32
      %scan3A_187 = arith.constant 512 : i32
      %scan3A_188 = arith.addi %scan3A_186, %scan3A_187 : i32
      %scan3A_189 = arith.constant 1 : i32
      %scan3A_190 = scf.for %scan3A_197 = %scan3A_186 to %scan3A_188 step %scan3A_189 iter_args(%scan3A_198 = %broadcast_in_dim3A_185) -> (vector<16xf32>)  : i32 {
        %broadcast_in_dim3A_199 = arith.constant 0 : i32
        %broadcast_in_dim3A_200 = vector.broadcast %broadcast_in_dim3A_199 : i32 to vector<16xi32>
        %add3A_201 = vector.broadcast %scan3A_197 : i32 to vector<16xi32>
        %add3A_202 = arith.addi %broadcast_in_dim3A_200, %add3A_201 : vector<16xi32>
        %gather3A = tpu.vector_load_idx %arg7[%add3A_183, %add3A_202] : memref<64x512xf32, #tpu.memory_space<vmem>>[vector<16xi32>, vector<16xi32>], vector<16xf32>,
        %gather3A_203 = tpu.vector_load_idx %arg8[%add3A_183, %add3A_202] : memref<64x512xf32, #tpu.memory_space<vmem>>[vector<16xi32>, vector<16xi32>], vector<16xf32>,
        %sub3A = arith.subf %gather3A, %gather3A_203 : vector<16xf32>
        %mul3A_204 = arith.mulf %sub3A, %sub3A : vector<16xf32>
        %add3A_205 = arith.addf %scan3A_198, %mul3A_204 : vector<16xf32>
        scf.yield %add3A_205 : vector<16xf32>
      }
      %scan3A_191 = arith.constant 512 : i32
      %max3A = arith.constant 9.99999996E-13 : f32
      %max3A_192 = vector.broadcast %max3A : f32 to vector<16xf32>
      %max3A_193 = arith.maximumf %scan3A_190, %max3A_192 : vector<16xf32>
      %min3A = arith.constant 9.99999995E+11 : f32
      %min3A_194 = vector.broadcast %min3A : f32 to vector<16xf32>
      %min3A_195 = arith.minimumf %max3A_193, %min3A_194 : vector<16xf32>
      %add3A_196 = arith.addf %scan3A_179, %min3A_195 : vector<16xf32>
      scf.yield %add3A_196 : vector<16xf32>
    }
    %scan3A_176 = arith.constant 4 : i32
    %swap3A = arith.constant 0 : index
    %swap3A_177 = tpu.vector_load %arg9[%swap3A] {strides = array<i32>} : memref<16xf32, #tpu.memory_space<vmem>>, vector<16xf32>,
    tpu.vector_store %arg9[%swap3A], %scan3A_175 {strides = array<i32>} : memref<16xf32, #tpu.memory_space<vmem>>, vector<16xf32>,
    "tpu.region"() ({
      %run_scoped3A = tpu.sem_alloc : memref<!tpu.dma_semaphore, #tpu.memory_space<semaphore_mem>>
      %dma_start3A_178 = arith.constant 0 : i32
      %dma_start3A_179 = tpu.memref_slice %arg5[%add3A, %dma_start3A_178] : memref<32x16xf32, #tpu.memory_space<hbm>> -> memref<1x16xf32, #tpu.memory_space<hbm>>
      %dma_start3A_180 = tpu.memref_squeeze %dma_start3A_179 : memref<1x16xf32, #tpu.memory_space<hbm>> -> memref<16xf32, #tpu.memory_space<hbm>>
      %dma_start3A_181 = arith.constant 0 : i32
      %dma_start3A_182 = tpu.memref_slice %arg5[%add3A, %dma_start3A_181] : memref<32x16xf32, #tpu.memory_space<hbm>> -> memref<1x16xf32, #tpu.memory_space<hbm>>
      %dma_start3A_183 = tpu.memref_squeeze %dma_start3A_182 : memref<1x16xf32, #tpu.memory_space<hbm>> -> memref<16xf32, #tpu.memory_space<hbm>>
      tpu.enqueue_dma source(%arg9 : memref<16xf32, #tpu.memory_space<vmem>>) target(%dma_start3A_183 : memref<16xf32, #tpu.memory_space<hbm>>) target_semaphore(%run_scoped3A : memref<!tpu.dma_semaphore, #tpu.memory_space<semaphore_mem>>)
      %dma_wait3A_184 = arith.constant 0 : i32
      %dma_wait3A_185 = tpu.memref_slice %arg5[%add3A, %dma_wait3A_184] : memref<32x16xf32, #tpu.memory_space<hbm>> -> memref<1x16xf32, #tpu.memory_space<hbm>>
      %dma_wait3A_186 = tpu.memref_squeeze %dma_wait3A_185 : memref<1x16xf32, #tpu.memory_space<hbm>> -> memref<16xf32, #tpu.memory_space<hbm>>
      %dma_wait3A_187 = arith.constant 0 : i32
      %dma_wait3A_188 = tpu.memref_slice %arg5[%add3A, %dma_wait3A_187] : memref<32x16xf32, #tpu.memory_space<hbm>> -> memref<1x16xf32, #tpu.memory_space<hbm>>
      %dma_wait3A_189 = tpu.memref_squeeze %dma_wait3A_188 : memref<1x16xf32, #tpu.memory_space<hbm>> -> memref<16xf32, #tpu.memory_space<hbm>>
      tpu.wait_dma2 semaphore(%run_scoped3A : memref<!tpu.dma_semaphore, #tpu.memory_space<semaphore_mem>>) src(%arg9 : memref<16xf32, #tpu.memory_space<vmem>>) dst(%dma_wait3A_189 : memref<16xf32, #tpu.memory_space<hbm>>)
      tpu.yield
    }) : () -> ()
    return
  }
}

</mosaic_0001>

<sc_bundles>
// kernel: _center_loss.3.cloned.1.call-start
scs
__scs_entry_jumppad:
0x0: {  	(pc) =	sbr.rel $0x88, $3  }
0x1: {  	(tag) =	ssettag $0x0;
	lr =	simm.s32 $0x1  }
0x2: {  	[smem:$0x3F9E] =	sst lr;
	_ =	strace $0xD0000000  }
0x3: {  	_ = 	snop  }
0x4: {  	_ = 	snop  }
0x5: {  	_ = 	snop  }
0x6: {  	_ = 	snop  }
0x7: {  	_ = 	snop  }
__scs_overlays_trampoline_lowered:
0x8: {  	[smem:$0x3FAD] =	sst s0  }
0x9: {  	[smem:$0x3FAE] =	sst s1  }
0xa: {  	[smem:$0x3FAF] =	sst s2  }
0xb: {  	[smem:$0x3FB0] =	sst s3  }
0xc: {  	[smem:$0x3FB1] =	sst s4  }
0xd: {  	[smem:$0x3FB2] =	sst s5  }
0xe: {  	[smem:$0x3FB3] =	sst s6  }
0xf: {  	[smem:$0x3FB4] =	sst s7  }
0x10: {  	[smem:$0x3FB5] =	sst s8  }
0x11: {  	[smem:$0x3FB6] =	sst s9;
	s0 =	simm.s32 @!p0 $0x0  }
0x12: {  	s1 =	sld [smem:$0x3F9C];
	s0 =	simm.s32 @p0 $0x1  }
0x13: {  	[smem:$0x3FB7] =	sst s0;
	s0 =	simm.s32 @!p1 $0x0  }
0x14: {  	s2 =	sld [smem:$0x3F9B];
	s0 =	simm.s32 @p1 $0x1  }
0x15: {  	[smem:$0x3FB8] =	sst s0;
	s0 =	simm.s32 @!p2 $0x0  }
0x16: {  	s3 =	sld [smem:$0x3FDB];
	s0 =	simm.s32 @p2 $0x1  }
0x17: {  	s4 =	simm.s32 $0x1BF5;
	[smem:$0x3FBA] =	sst s0  }
0x18: {  	s0 =	sld [smem:$0x3F9D];
	_ =	swait.ge [sflag:s4], $0x0  }
0x19: {  	s7 =	sld [smem:$0x3F9E]  }
0x1a: {  	s8 =	sadd.s32 $0xFFFFE003, lr  }
0x1b: {  	s9 =	sadd.s32 $0xFFFFFEF7, lr;
	s5 =	simm.s32 $0xFFFFFFFF;
	p2 =	slt.u32 s8, $0xFFFFF086  }
0x1c: {  	p1 =	slt.u32 s9, $0xF7A;
	s5 =	simm.s32 @!p2 $0x0  }
0x1d: {  	s5 =	simm.s32 @p1 $0x1;
	p0 =	seq.s32 s7, s2  }
0x1e: {  	s7 =	smul.u32 @!p0 $0xF7A, s2;
	p2 =	seq.s32 @!p0 s5, $0x0  }
0x1f: {  	s9 =	smul.u32 $0xF7A, s1;
	s8 =	simm.s32 @!p0 $0x1BF5;
	p2 =	por !p2, p0  }
0x20: {  	[sflag:s8] =	ssyncset.s32 @!p0 $0xFFFFF086;
	s6 =	sadd.s32 @!p0 s3, s7;
	s7 =	simm.s32 @!p0 $0x108  }
0x21: {  	s3 =	sadd.s32 s3, s9;
	s6 =	sadd.s32 @!p0 $0x88, s6;
	s7 =	simm.s32 @p2 $0x1082  }
0x22: {  	[simem:s7], [sflag:s8] =	dma.local @!p0 [hbm:s6], $0xF7A  }
0x23: {  	s9 =	sor.u32 $0xD0000000, s2;
	s6 =	simm.s32 $0x108;
	_ =	swait.ge @!p0 [sflag:s8], $0x0  }
0x24: {  	s3 =	sadd.s32 $0x88, s3;
	s6 =	simm.s32 @!p1 $0x1082;
	[sflag:s4] =	ssyncset.s32 $0xFFFFF086  }
0x25: {  	[simem:s6], [sflag:s4] =	dma.local [hbm:s3], $0xF7A  }
0x26: {  	[smem:$0x3F9E] =	sst s1;
	(tag) =	ssettag s2;
	_ =	strace s9  }
0x27: {  	s1 =	sld [smem:$0x3FAE]  }
0x28: {  	s2 =	sld [smem:$0x3FAF]  }
0x29: {  	s4 =	sld [smem:$0x3FB1]  }
0x2a: {  	p0 =	seq.s32 s5, $0x0;
	s5 =	sld [smem:$0x3FB2]  }
0x2b: {  	s6 =	sld [smem:$0x3FB3]  }
0x2c: {  	s7 =	sld [smem:$0x3FB4]  }
0x2d: {  	s3 =	simm.s32 $0x108;
	s8 =	sld [smem:$0x3FB5]  }
0x2e: {  	s3 =	simm.s32 @!p0 $0x1082;
	s9 =	sld [smem:$0x3FB6]  }
0x2f: {  	lr =	sadd.s32 s0, s3;
	s0 =	sld [smem:$0x3FAD]  }
0x30: {  	s3 =	sld [smem:$0x3FB0]  }
0x31: {  	[smem:$0x3FB9] =	sst s10  }
0x32: {  	s10 =	sld [smem:$0x3FB7];
	_ =	sdelay $0x3  }
0x33: {  	p0 =	seq.s32 s10, $0x1;
	s10 =	sld [smem:$0x3FB9];
	_ =	sdelay $0x3  }
0x34: {  	[smem:$0x3FB9] =	sst s10  }
0x35: {  	s10 =	sld [smem:$0x3FB8];
	_ =	sdelay $0x3  }
0x36: {  	p1 =	seq.s32 s10, $0x1;
	s10 =	sld [smem:$0x3FB9];
	_ =	sdelay $0x3  }
0x37: {  	[smem:$0x3FB9] =	sst s10  }
0x38: {  	s10 =	sld [smem:$0x3FBA]  }
0x39: {  	_ = 	snop;
	(pc) =	sbr.ind lr, $3  }
0x3a: {  	_ = 	snop  }
0x3b: {  	_ = 	snop  }
0x3c: {  	p2 =	seq.s32 s10, $0x1;
	s10 =	sld [smem:$0x3FB9]  }
0x3d: {  	_ =	shalt  }
0x3e: {  	_ =	shalt  }
0x3f: {  	_ =	shalt  }
0x40: {  	_ =	shalt  }
0x41: {  	_ =	shalt  }
0x42: {  	_ =	shalt  }
0x43: {  	_ =	shalt  }
0x44: {  	_ =	shalt  }
0x45: {  	_ =	shalt  }
0x46: {  	_ =	shalt  }
0x47: {  	_ =	shalt  }
0x48: {  	_ =	shalt  }
0x49: {  	_ =	shalt  }
0x4a: {  	_ =	shalt  }
0x4b: {  	_ =	shalt  }
0x4c: {  	_ =	shalt  }
0x4d: {  	_ =	shalt  }
0x4e: {  	_ =	shalt  }
0x4f: {  	_ =	shalt  }
0x50: {  	_ =	shalt  }
0x51: {  	_ =	shalt  }
0x52: {  	_ =	shalt  }
0x53: {  	_ =	shalt  }
0x54: {  	_ =	shalt  }
0x55: {  	_ =	shalt  }
0x56: {  	_ =	shalt  }
0x57: {  	_ =	shalt  }
0x58: {  	_ =	shalt  }
0x59: {  	_ =	shalt  }
0x5a: {  	_ =	shalt  }
0x5b: {  	_ =	shalt  }
0x5c: {  	_ =	shalt  }
0x5d: {  	_ =	shalt  }
0x5e: {  	_ =	shalt  }
0x5f: {  	_ =	shalt  }
0x60: {  	_ =	shalt  }
0x61: {  	_ =	shalt  }
0x62: {  	_ =	shalt  }
0x63: {  	_ =	shalt  }
0x64: {  	_ =	shalt  }
0x65: {  	_ =	shalt  }
0x66: {  	_ =	shalt  }
0x67: {  	_ =	shalt  }
0x68: {  	_ =	shalt  }
0x69: {  	_ =	shalt  }
0x6a: {  	_ =	shalt  }
0x6b: {  	_ =	shalt  }
0x6c: {  	_ =	shalt  }
0x6d: {  	_ =	shalt  }
0x6e: {  	_ =	shalt  }
0x6f: {  	_ =	shalt  }
0x70: {  	_ =	shalt  }
0x71: {  	_ =	shalt  }
0x72: {  	_ =	shalt  }
0x73: {  	_ =	shalt  }
0x74: {  	_ =	shalt  }
0x75: {  	_ =	shalt  }
0x76: {  	_ =	shalt  }
0x77: {  	_ =	shalt  }
0x78: {  	_ =	shalt  }
0x79: {  	_ =	shalt  }
0x7a: {  	_ =	shalt  }
0x7b: {  	_ =	shalt  }
0x7c: {  	_ =	shalt  }
0x7d: {  	_ =	shalt  }
0x7e: {  	_ =	shalt  }
0x7f: {  	_ =	shalt  }
0x80: {  	_ =	shalt  }
0x81: {  	_ =	shalt  }
0x82: {  	_ =	shalt  }
0x83: {  	_ =	shalt  }
0x84: {  	_ =	shalt  }
0x85: {  	_ =	shalt  }
0x86: {  	_ =	shalt  }
0x87: {  	_ =	shalt  }
.Lfunc_end0:
.L_simem_size_0:
called_computation_lowered:
.L_overlay_start_0:
0x88: {  	s2 =	sld [smem:$0x3FD9]  }
0x89: {  	s3 =	sld [smem:$0x3FFE];
	_ =	sdelay $0x1  }
0x8a: {  	s1 =	srdreg.scid  }
0x8b: {  	s0 =	sand.u32 $0x1, s1  }
0x8c: {  	s17 =	sshll.u32 s0, $0xA;
	s2 =	sadd.s32 s3, s2  }
0x8d: {  	s2 =	sadd.s32 s2, s17  }
0x8e: {  	[smem:$0x3FC5] =	sst s2  }
0x8f: {  	_ = 	snop  }
0x90: {  	s2 =	sld [smem:$0x3FC9]  }
0x91: {  	s18 =	sld [smem:$0x3FC7];
	(tm) =	ssettm $0x1  }
0x92: {  	s4 =	sld [smem:$0x3FFB];
	_ =	sdelay $0x3  }
0x93: {  	_ =	strace s4  }
0x94: {  	s4 =	sld [smem:$0x3FFC];
	_ =	sdelay $0x3  }
0x95: {  	_ =	strace s4  }
0x96: {  	s4 =	sld [smem:$0x3FFD];
	_ =	sdelay $0x3  }
0x97: {  	_ =	strace s4  }
0x98: {  	_ =	strace $0x8FFFFFFF  }
0x99: {  	s19 =	sld [smem:$0x3FDB];
	_ =	sdelay $0x1  }
0x9a: {  	s5 =	simm.s32 $_scs_section_size  }
0x9b: {  	s6 =	simm.s32 $_size__tile_overlayer_lowered;
	s7 =	simm.s32 $_tile_overlayer_lowered  }
0x9c: {  	s22 =	simm.s32 $0x1BFF;
	s21 =	sshll.u32 s7, $0x1;
	s4 =	sadd.s32 s5, s19  }
0x9d: {  	s8 =	simm.s32 $0x0;
	s20 =	sshll.u32 s6, $0x1;
	s6 =	sadd.s32 s21, s4  }
0x9e: {  	[timem:s8], [sflag:s22] =	dma.local [hbm:s6], s20  }
0x9f: {  	_ =	swait.ge [sflag:s22], s20  }
0xa0: {  	s5 =	ssub.s32 $0x0, s20;
	[sflag:s22] =	ssyncset.done $0x0  }
0xa1: {  	[sflag:s22] =	ssyncadd.s32 s5;
	_ =	sdelay $0x1  }
0xa2: {  	s23 =	simm.s32 $0x1B8B  }
0xa3: {  	_ =	swait.ge [sflag:s23], $0x1  }
0xa4: {  	[sflag:s23] =	ssyncset.done $0x0  }
0xa5: {  	s25 =	simm.s32 $0x1B8E;
	s24 =	sld [smem:$0x3FFE];
	[sflag:s23] =	ssyncadd.s32 $0xFFFFFFFF  }
0xa6: {  	s26 =	simm.s32 $execute0_lowered;
	[smem:$0x3FD2] =	sst s25  }
0xa7: {  	s6 =	sshll.u32 s26, $0x1;
	_ =	strace $0x80000046;
	[dreg:$0x1] =	wrdreg $0xFFFFFFFF  }
0xa8: {  	s28 =	simm.s32 $_size_execute0_lowered;
	s4 =	sadd.s32 s4, s6;
	[dreg:$0x0] =	wrdreg $0x0  }
0xa9: {  	s6 =	sshll.u32 s28, $0x1;
	[dreg:$0x2] =	wrdreg s4  }
0xaa: {  	[dreg:$0x3] =	wrdreg s6  }
0xab: {  	[dreg:$0x4] =	wrdreg $0xC0  }
0xac: {  	_ =	task [dreg:s8], $0x5FFFF  }
0xad: {  	[dreg:$0x1] =	wrdreg $0xFFFFFFFF  }
0xae: {  	[dreg:$0x0] =	wrdreg $0x60  }
0xaf: {  	[dreg:$0x2] =	wrdreg s2  }
0xb0: {  	[dreg:$0x3] =	wrdreg s24  }
0xb1: {  	[dreg:$0x4] =	wrdreg s18  }
0xb2: {  	[dreg:$0x5] =	wrdreg $0x9  }
0xb3: {  	_ =	task.clear_ibuf [dreg:s8], $0x6FFFF;
	_ =	strace $0x90000046  }
0xb4: {  	s29 =	simm.s32 $0x9;
	_ =	strace $0x80000048  }
0xb5: {  	_ =	swait.ge [sflag:s29], $0x1  }
0xb6: {  	[sflag:s29] =	ssyncadd.s32 $0xFFFFFFFF  }
0xb7: {  	_ =	strace $0x90000048  }
0xb8: {  	_ =	sfence  }
0xb9: {  	s30 =	sld [smem:$0x0];
	_ =	sdelay $0x2  }
0xba: {  	s31 =	sshll.u32 s1, $0xD;
	s1 =	sshrl.u32 s1, $0x2  }
0xbb: {  	s3 =	sand.u32 $0x4000, s31;
	s1 =	sadd.s32 s1, s30  }
0xbc: {  	s0 =	sor.u32 s3, s0;
	s1 =	sshll.u32 s1, $0x11  }
0xbd: {  	s0 =	sor.u32 s1, s0  }
0xbe: {  	s0 =	sadd.s32 $0x8F2B, s0  }
0xbf: {  	[sflag:s0] =	ssyncadd.remote.s32 $0x1  }
0xc0: {  	_ =	sfence.sel $0xFFFF  }
0xc1: {  	[dreg:$0x0] =	wrdreg $0xFFFFFFFF;
	(pc) =	sbr.abs _section_cstart, $3  }
0xc2: {  	[dreg:$0x1] =	wrdreg $0xFFFFFFFF  }
0xc3: {  	_ =	task.clear_ibuf [dreg:s8], $0x2FFFF;
	_ =	strace $0x9FFFFFFF  }
0xc4: {  	(tm) =	ssettm $0x7FFFFFFF  }
0xc5: {  	_ =	shalt  }
tec
execute0_lowered:
.L_overlay_start_1:
0x0: {  	(tag) =	ssettag $0x1  }
0x1: {  	s0 =	rddreg [dreg:$0x0]  }
0x2: {  	s1 =	rddreg [dreg:$0x1];
	s3 =	srdreg.scid  }
0x3: {  	s5 =	stileid.u32;
	s2 =	rddreg [dreg:$0x2]  }
0x4: {  	s16 =	simm.s32 $0x2;
	s17 =	simm.s32 $0x400;
	s18 =	simm.s32 $0x8400  }
0x5: {  	s19 =	simm.s32 $0x8C00;
	s20 =	simm.s32 $0x9400;
	s28 =	simm.s32 $0xCC00  }
0x6: {  	s29 =	simm.s32 $0xD400;
	s30 =	simm.s32 $0xDC00;
	s31 =	simm.s32 $0xE400  }
0x7: {  	s4 =	sand.u32 $0x1, s3;
	s5 =	sshll.u32 s5, $0x1;
	s3 =	simm.s32 $0x0  }
0x8: {  	s8 =	simm.s32 $0x0;
	s5 =	sor.u32 s4, s5;
	[smem:$0x7FF] =	sst s3  }
0x9: {  	s4 =	ssub.s32 $0x2, s4;
	s6 =	sshll.u32 s5, $0x4;
	_ =	strace $0x80000047  }
0xa: {  	s21 =	sshrl.u32 s4, $0x1;
	s22 =	sshll.u32 s5, $0x7;
	s5 =	sshll.u32 s5, $0xF  }
0xb: {  	s7 =	sadd.s32 s6, s1;
	s4 =	ssub.s32 s4, s21;
	s1 =	sadd.s32 s1, s22  }
0xc: {  	s5 =	sadd.s32 s0, s5;
	s6 =	sadd.s32 $0x100, s2;
	s21 =	simm.s32 $0x9C00  }
0xd: {  	s22 =	simm.s32 $0xA400;
	[dreg:$0x4] =	wrdreg s1;
	s0 =	sadd.s32 $0x1000, s5  }
0xe: {  	s23 =	sadd.s32 $0x2000, s5;
	s24 =	sadd.s32 $0x3000, s5;
	s25 =	sadd.s32 $0x4000, s5  }
0xf: {  	s26 =	sadd.s32 $0x5000, s5;
	s12 =	sadd.s32 $0x6000, s5;
	[dreg:$0x5] =	wrdreg s0  }
0x10: {  	s13 =	sadd.s32 $0x7000, s5;
	s14 =	sadd.s32 $0x1000, s7;
	[dreg:$0x6] =	wrdreg s23  }
0x11: {  	s15 =	smax.u32 s4, $0x1;
	s1 =	simm.s32 $0xEC00;
	[dreg:$0x7] =	wrdreg s24  }
0x12: {  	v3 =	vlaneseq.u32;
	vm0 =	vmmov $0xffff;
	s4 =	simm.s32 $0xFC00;
	s7 =	simm.s32 $0x1;
	[dreg:$0x8] =	wrdreg s25  }
0x13: {  	v1 =	vshrl.u32 v3, $0x3;
	v0 =	vand.u32 $0x7, v3;
	v2 =	vor.u32 $0x8, v3;
	[dreg:$0x9] =	wrdreg s26;
	s23 =	simm.s32 $0xAC00;
	s24 =	simm.s32 $0xB400  }
0x14: {  	v3 =	vmul.u32 $0x200, v3;
	v1 =	vmul.u32 $0x8, v1;
	v4 =	vmul.u32 $0x80, v0;
	s25 =	simm.s32 $0xBC00;
	s26 =	simm.s32 $0xC400;
	s0 =	simm.s32 $0xF400  }
.LBB2_1:
0x15: {  	s9 =	rddreg [dreg:$0x4]  }
0x16: {  	[tilespmem:s3], [sflag:$0x2] =	stream.linear.gather [hbm4b:s9+s3], $0x400, $0x38;
	[tilespmem:$0x10480] =	vst v63  }
0x17: {  	_ =	swait.ge [sflag:s16], $0x400  }
0x18: {  	[sflag:s16] =	ssyncset.done $0x0  }
0x19: {  	[sflag:s16] =	ssyncadd.s32 $0xFFFFFC00  }
0x1a: {  	[tilespmem:s17], [sflag:$0x2] =	stream.linear.gather [hbm4b:s5+s3], $0x8000, $0x38;
	[tilespmem:$0x10480] =	vst v63  }
0x1b: {  	_ =	swait.ge [sflag:s16], $0x8000  }
0x1c: {  	[sflag:s16] =	ssyncset.done $0x0  }
0x1d: {  	[sflag:s16] =	ssyncadd.s32 $0xFFFF8000  }
0x1e: {  	v5 =	vld [tilespmem:$0x0];
	_ =	sdelay $0x4  }
0x1f: {  	v6 =	vshll.u32 v5, $0x2  }
0x20: {  	v5 =	vand.u32 $0x7, v5;
	v6 =	vand.u32 $0xFFFFFFE0, v6  }
0x21: {  	v5 =	vor.u32 v5, v6  }
0x22: {  	v6 =	vperm.xlane v5, v0;
	_ =	sdelay $0x1  }
0x23: {  	v6 =	vadd.s32 v1, v6;
	_ =	sdelay $0x1  }
0x24: {  	v5 =	vperm.xlane v5, v2;
	_ =	sdelay $0x1  }
0x25: {  	v5 =	vadd.s32 v1, v5  }
0x26: {  	[tilespmem:s18], [sflag:$0x1] =	stream.indirect_vreg.gather [hbm4b:s2+s3], $0x80, v6, vm0, $0xb8;
	[tilespmem:$0x10480] =	vst v63  }
0x27: {  	_ = 	snop  }
0x28: {  	[tilespmem:s19], [sflag:$0x1] =	stream.indirect_vreg.gather [hbm4b:s6+s3], $0x80, v6, vm0, $0xb8;
	[tilespmem:$0x10480] =	vst v63  }
0x29: {  	_ = 	snop  }
0x2a: {  	[tilespmem:s20], [sflag:$0x1] =	stream.indirect_vreg.gather [hbm4b:s2+s3], $0x80, v5, vm0, $0xb8;
	[tilespmem:$0x10480] =	vst v63  }
0x2b: {  	_ = 	snop  }
0x2c: {  	[tilespmem:s21], [sflag:$0x1] =	stream.indirect_vreg.gather [hbm4b:s6+s3], $0x80, v5, vm0, $0xb8;
	[tilespmem:$0x10480] =	vst v63  }
0x2d: {  	v5 =	vld [tilespmem:$0x10];
	_ =	sdelay $0x4  }
0x2e: {  	v6 =	vshll.u32 v5, $0x2  }
0x2f: {  	v5 =	vand.u32 $0x7, v5;
	v6 =	vand.u32 $0xFFFFFFE0, v6  }
0x30: {  	v5 =	vor.u32 v5, v6  }
0x31: {  	v6 =	vperm.xlane v5, v0;
	_ =	sdelay $0x1  }
0x32: {  	v6 =	vadd.s32 v1, v6;
	_ =	sdelay $0x1  }
0x33: {  	v5 =	vperm.xlane v5, v2;
	_ =	sdelay $0x1  }
0x34: {  	v5 =	vadd.s32 v1, v5  }
0x35: {  	[tilespmem:s22], [sflag:$0x1] =	stream.indirect_vreg.gather [hbm4b:s2+s3], $0x80, v6, vm0, $0xb8;
	[tilespmem:$0x10480] =	vst v63  }
0x36: {  	_ = 	snop  }
0x37: {  	[tilespmem:s23], [sflag:$0x1] =	stream.indirect_vreg.gather [hbm4b:s6+s3], $0x80, v6, vm0, $0xb8;
	[tilespmem:$0x10480] =	vst v63  }
0x38: {  	_ = 	snop  }
0x39: {  	[tilespmem:s24], [sflag:$0x1] =	stream.indirect_vreg.gather [hbm4b:s2+s3], $0x80, v5, vm0, $0xb8;
	[tilespmem:$0x10480] =	vst v63  }
0x3a: {  	_ = 	snop  }
0x3b: {  	[tilespmem:s25], [sflag:$0x1] =	stream.indirect_vreg.gather [hbm4b:s6+s3], $0x80, v5, vm0, $0xb8;
	[tilespmem:$0x10480] =	vst v63  }
0x3c: {  	v5 =	vld [tilespmem:$0x20];
	_ =	sdelay $0x4  }
0x3d: {  	v6 =	vshll.u32 v5, $0x2  }
0x3e: {  	v5 =	vand.u32 $0x7, v5;
	v6 =	vand.u32 $0xFFFFFFE0, v6  }
0x3f: {  	v5 =	vor.u32 v5, v6  }
0x40: {  	v6 =	vperm.xlane v5, v0;
	_ =	sdelay $0x1  }
0x41: {  	v6 =	vadd.s32 v1, v6;
	_ =	sdelay $0x1  }
0x42: {  	v5 =	vperm.xlane v5, v2;
	_ =	sdelay $0x1  }
0x43: {  	v5 =	vadd.s32 v1, v5  }
0x44: {  	[tilespmem:s26], [sflag:$0x1] =	stream.indirect_vreg.gather [hbm4b:s2+s3], $0x80, v6, vm0, $0xb8;
	[tilespmem:$0x10480] =	vst v63  }
0x45: {  	_ = 	snop  }
0x46: {  	[tilespmem:s28], [sflag:$0x1] =	stream.indirect_vreg.gather [hbm4b:s6+s3], $0x80, v6, vm0, $0xb8;
	[tilespmem:$0x10480] =	vst v63  }
0x47: {  	_ = 	snop  }
0x48: {  	[tilespmem:s29], [sflag:$0x1] =	stream.indirect_vreg.gather [hbm4b:s2+s3], $0x80, v5, vm0, $0xb8;
	[tilespmem:$0x10480] =	vst v63  }
0x49: {  	_ = 	snop  }
0x4a: {  	[tilespmem:s30], [sflag:$0x1] =	stream.indirect_vreg.gather [hbm4b:s6+s3], $0x80, v5, vm0, $0xb8;
	[tilespmem:$0x10480] =	vst v63  }
0x4b: {  	v5 =	vld [tilespmem:$0x30];
	_ =	sdelay $0x4  }
0x4c: {  	v6 =	vshll.u32 v5, $0x2  }
0x4d: {  	v5 =	vand.u32 $0x7, v5;
	v6 =	vand.u32 $0xFFFFFFE0, v6  }
0x4e: {  	v5 =	vor.u32 v5, v6  }
0x4f: {  	v6 =	vperm.xlane v5, v0;
	_ =	sdelay $0x1  }
0x50: {  	v6 =	vadd.s32 v1, v6;
	_ =	sdelay $0x1  }
0x51: {  	v5 =	vperm.xlane v5, v2;
	_ =	sdelay $0x1  }
0x52: {  	v5 =	vadd.s32 v1, v5  }
0x53: {  	[tilespmem:s31], [sflag:$0x1] =	stream.indirect_vreg.gather [hbm4b:s2+s3], $0x80, v6, vm0, $0xb8;
	[tilespmem:$0x10480] =	vst v63  }
0x54: {  	_ = 	snop  }
0x55: {  	[tilespmem:s1], [sflag:$0x1] =	stream.indirect_vreg.gather [hbm4b:s6+s3], $0x80, v6, vm0, $0xb8;
	[tilespmem:$0x10480] =	vst v63  }
0x56: {  	_ = 	snop  }
0x57: {  	[tilespmem:s0], [sflag:$0x1] =	stream.indirect_vreg.gather [hbm4b:s2+s3], $0x80, v5, vm0, $0xb8;
	[tilespmem:$0x10480] =	vst v63  }
0x58: {  	_ = 	snop  }
0x59: {  	[tilespmem:s4], [sflag:$0x1] =	stream.indirect_vreg.gather [hbm4b:s6+s3], $0x80, v5, vm0, $0xb8;
	[tilespmem:$0x10480] =	vst v63  }
0x5a: {  	_ =	swait.ge [sflag:s7], $0x8000  }
0x5b: {  	[sflag:s7] =	ssyncset.done $0x0  }
0x5c: {  	s9 =	simm.s32 $0x0;
	v5 =	vimm.f32 $0.0e+00;
	[sflag:s7] =	ssyncadd.s32 $0xFFFF8000  }
.LBB2_2:
0x5d: {  	s10 =	sshll.u32 s9, $0x4  }
0x5e: {  	v6 =	vmov s10  }
0x5f: {  	v6 =	vshll.u32 v6, $0x9  }
0x60: {  	s11 =	simm.s32 $0x0;
	v6 =	vor.u32 v3, v6  }
0x61: {  	v7 =	vmov s11;
	v6 =	vand.u32 $0x7000, v6  }
0x62: {  	v8 =	vand.u32 $0x7F, v7;
	v7 =	vshll.u32 v7, $0x3;
	v6 =	vor.u32 v4, v6  }
0x63: {  	v7 =	vand.u32 $0xC00, v7;
	v8 =	vor.u32 v8, v6  }
0x64: {  	v7 =	vor.u32 v7, v8;
	_ =	sdelay $0x2  }
0x65: {  	s11 =	simm.s32 $0x1  }
0x66: {  	v8 =	vmov s11  }
0x67: {  	v9 =	vand.u32 $0x7F, v8;
	v8 =	vshll.u32 v8, $0x3;
	v10 =	vld.idx.msk [tilespmem:v7+s17+$0x0], $0xffff  }
0x68: {  	v8 =	vand.u32 $0xC00, v8;
	v9 =	vor.u32 v9, v6;
	v7 =	vld.idx.msk [tilespmem:v7+s18+$0x0], $0xffff  }
0x69: {  	v8 =	vor.u32 v8, v9  }
0x6a: {  	s11 =	simm.s32 $0x2  }
0x6b: {  	v9 =	vmov s11  }
0x6c: {  	v11 =	vand.u32 $0x7F, v9;
	v9 =	vshll.u32 v9, $0x3  }
0x6d: {  	v9 =	vand.u32 $0xC00, v9;
	v12 =	vsub.f32 v10, v7;
	v10 =	vor.u32 v11, v6  }
0x6e: {  	v7 =	vld.idx.msk [tilespmem:v8+s17+$0x0], $0xffff;
	v9 =	vor.u32 v9, v10  }
0x6f: {  	v10 =	vld.idx.msk [tilespmem:v8+s18+$0x0], $0xffff  }
0x70: {  	s10 =	simm.s32 $0x3;
	v8 =	vimm.f32 $0.0e+00;
	v11 =	vmul.f32 v12, v12  }
.LBB2_3:
0x71: {  	v12 =	vmov s10;
	p0 =	sne.s32 s10, $0x1FF  }
.Ltmp0:
0x72: {  	s10 =	sadd.s32 $0x1, s10;
	v14 =	vand.u32 $0x7F, v12;
	v12 =	vshll.u32 v12, $0x3;
	v8 =	vadd.f32 v11, v8;
	(pc) =	sbr.rel @p0 .LBB2_3-.Ltmp0, $3  }
0x73: {  	v13 =	vmov v7;
	v11 =	vand.u32 $0xC00, v12;
	v12 =	vor.u32 v14, v6;
	v7 =	vld.idx.msk [tilespmem:v9+s17+$0x0], $0xffff  }
0x74: {  	v13 =	vsub.f32 v13, v10;
	v10 =	vld.idx.msk [tilespmem:v9+s18+$0x0], $0xffff;
	v9 =	vor.u32 v11, v12;
	_ =	sdelay $0x1  }
0x75: {  	v11 =	vmul.f32 v13, v13  }
0x76: {  	_ =	sdelay $0x3  }
0x77: {  	v6 =	vld.idx.msk [tilespmem:v9+s17+$0x0], $0xffff  }
0x78: {  	v63 =	vld.idx.msk [tilespmem:v9+s18+$0x0], $0xffff;
	_ =	sdelay $0x2  }
0x79: {  	v7 =	vsub.f32 v7, v10;
	_ =	sdelay $0x1  }
0x7a: {  	v8 =	vadd.f32 v11, v8;
	v7 =	vmul.f32 v7, v7;
	v6 =	vsub.f32 v6, v63;
	_ =	sdelay $0x1  }
0x7b: {  	s9 =	sadd.s32 $0x1, s9;
	v7 =	vadd.f32 v7, v8;
	v6 =	vmul.f32 v6, v6  }
0x7c: {  	p0 =	sne.s32 s9, $0x4  }
.Ltmp1:
0x7d: {  	v6 =	vadd.f32 v6, v7;
	(pc) =	sbr.rel @p0 .LBB2_2-.Ltmp1, $4  }
0x7e: {  	_ = 	snop  }
0x7f: {  	v6 =	vmax.f32 v6, $9.999999960e-13  }
0x80: {  	v6 =	vmin.f32 v6, $9.999999950e+11  }
0x81: {  	v5 =	vadd.f32 v6, v5  }
0x82: {  	s9 =	simm.s32 $0x0;
	s10 =	rddreg [dreg:$0x5]  }
0x83: {  	[tilespmem:s17], [sflag:$0x2] =	stream.linear.gather [hbm4b:s10+s9], $0x8000, $0x38;
	[tilespmem:$0x10480] =	vst v63  }
0x84: {  	_ =	swait.ge [sflag:s16], $0x8000  }
0x85: {  	[sflag:s16] =	ssyncset.done $0x0  }
0x86: {  	[sflag:s16] =	ssyncadd.s32 $0xFFFF8000  }
0x87: {  	v6 =	vld [tilespmem:$0x80];
	_ =	sdelay $0x4  }
0x88: {  	v7 =	vshll.u32 v6, $0x2  }
0x89: {  	v6 =	vand.u32 $0x7, v6;
	v7 =	vand.u32 $0xFFFFFFE0, v7  }
0x8a: {  	v6 =	vor.u32 v6, v7  }
0x8b: {  	v7 =	vperm.xlane v6, v0;
	_ =	sdelay $0x1  }
0x8c: {  	v7 =	vadd.s32 v1, v7;
	_ =	sdelay $0x1  }
0x8d: {  	v6 =	vperm.xlane v6, v2;
	_ =	sdelay $0x1  }
0x8e: {  	v6 =	vadd.s32 v1, v6  }
0x8f: {  	[tilespmem:s18], [sflag:$0x1] =	stream.indirect_vreg.gather [hbm4b:s2+s9], $0x80, v7, vm0, $0xb8;
	[tilespmem:$0x10480] =	vst v63  }
0x90: {  	_ = 	snop  }
0x91: {  	[tilespmem:s19], [sflag:$0x1] =	stream.indirect_vreg.gather [hbm4b:s6+s9], $0x80, v7, vm0, $0xb8;
	[tilespmem:$0x10480] =	vst v63  }
0x92: {  	_ = 	snop  }
0x93: {  	[tilespmem:s20], [sflag:$0x1] =	stream.indirect_vreg.gather [hbm4b:s2+s9], $0x80, v6, vm0, $0xb8;
	[tilespmem:$0x10480] =	vst v63  }
0x94: {  	_ = 	snop  }
0x95: {  	[tilespmem:s21], [sflag:$0x1] =	stream.indirect_vreg.gather [hbm4b:s6+s9], $0x80, v6, vm0, $0xb8;
	[tilespmem:$0x10480] =	vst v63  }
0x96: {  	v6 =	vld [tilespmem:$0x90];
	_ =	sdelay $0x4  }
0x97: {  	v7 =	vshll.u32 v6, $0x2  }
0x98: {  	v6 =	vand.u32 $0x7, v6;
	v7 =	vand.u32 $0xFFFFFFE0, v7  }
0x99: {  	v6 =	vor.u32 v6, v7  }
0x9a: {  	v7 =	vperm.xlane v6, v0;
	_ =	sdelay $0x1  }
0x9b: {  	v7 =	vadd.s32 v1, v7;
	_ =	sdelay $0x1  }
0x9c: {  	v6 =	vperm.xlane v6, v2;
	_ =	sdelay $0x1  }
0x9d: {  	v6 =	vadd.s32 v1, v6  }
0x9e: {  	[tilespmem:s22], [sflag:$0x1] =	stream.indirect_vreg.gather [hbm4b:s2+s9], $0x80, v7, vm0, $0xb8;
	[tilespmem:$0x10480] =	vst v63  }
0x9f: {  	_ = 	snop  }
0xa0: {  	[tilespmem:s23], [sflag:$0x1] =	stream.indirect_vreg.gather [hbm4b:s6+s9], $0x80, v7, vm0, $0xb8;
	[tilespmem:$0x10480] =	vst v63  }
0xa1: {  	_ = 	snop  }
0xa2: {  	[tilespmem:s24], [sflag:$0x1] =	stream.indirect_vreg.gather [hbm4b:s2+s9], $0x80, v6, vm0, $0xb8;
	[tilespmem:$0x10480] =	vst v63  }
0xa3: {  	_ = 	snop  }
0xa4: {  	[tilespmem:s25], [sflag:$0x1] =	stream.indirect_vreg.gather [hbm4b:s6+s9], $0x80, v6, vm0, $0xb8;
	[tilespmem:$0x10480] =	vst v63  }
0xa5: {  	v6 =	vld [tilespmem:$0xA0];
	_ =	sdelay $0x4  }
0xa6: {  	v7 =	vshll.u32 v6, $0x2  }
0xa7: {  	v6 =	vand.u32 $0x7, v6;
	v7 =	vand.u32 $0xFFFFFFE0, v7  }
0xa8: {  	v6 =	vor.u32 v6, v7  }
0xa9: {  	v7 =	vperm.xlane v6, v0;
	_ =	sdelay $0x1  }
0xaa: {  	v7 =	vadd.s32 v1, v7;
	_ =	sdelay $0x1  }
0xab: {  	v6 =	vperm.xlane v6, v2;
	_ =	sdelay $0x1  }
0xac: {  	v6 =	vadd.s32 v1, v6  }
0xad: {  	[tilespmem:s26], [sflag:$0x1] =	stream.indirect_vreg.gather [hbm4b:s2+s9], $0x80, v7, vm0, $0xb8;
	[tilespmem:$0x10480] =	vst v63  }
0xae: {  	_ = 	snop  }
0xaf: {  	[tilespmem:s28], [sflag:$0x1] =	stream.indirect_vreg.gather [hbm4b:s6+s9], $0x80, v7, vm0, $0xb8;
	[tilespmem:$0x10480] =	vst v63  }
0xb0: {  	_ = 	snop  }
0xb1: {  	[tilespmem:s29], [sflag:$0x1] =	stream.indirect_vreg.gather [hbm4b:s2+s9], $0x80, v6, vm0, $0xb8;
	[tilespmem:$0x10480] =	vst v63  }
0xb2: {  	_ = 	snop  }
0xb3: {  	[tilespmem:s30], [sflag:$0x1] =	stream.indirect_vreg.gather [hbm4b:s6+s9], $0x80, v6, vm0, $0xb8;
	[tilespmem:$0x10480] =	vst v63  }
0xb4: {  	v6 =	vld [tilespmem:$0xB0];
	_ =	sdelay $0x4  }
0xb5: {  	v7 =	vshll.u32 v6, $0x2  }
0xb6: {  	v6 =	vand.u32 $0x7, v6;
	v7 =	vand.u32 $0xFFFFFFE0, v7  }
0xb7: {  	v6 =	vor.u32 v6, v7  }
0xb8: {  	v7 =	vperm.xlane v6, v0;
	_ =	sdelay $0x1  }
0xb9: {  	v7 =	vadd.s32 v1, v7;
	_ =	sdelay $0x1  }
0xba: {  	v6 =	vperm.xlane v6, v2;
	_ =	sdelay $0x1  }
0xbb: {  	v6 =	vadd.s32 v1, v6  }
0xbc: {  	[tilespmem:s31], [sflag:$0x1] =	stream.indirect_vreg.gather [hbm4b:s2+s9], $0x80, v7, vm0, $0xb8;
	[tilespmem:$0x10480] =	vst v63  }
0xbd: {  	_ = 	snop  }
0xbe: {  	[tilespmem:s1], [sflag:$0x1] =	stream.indirect_vreg.gather [hbm4b:s6+s9], $0x80, v7, vm0, $0xb8;
	[tilespmem:$0x10480] =	vst v63  }
0xbf: {  	_ = 	snop  }
0xc0: {  	[tilespmem:s0], [sflag:$0x1] =	stream.indirect_vreg.gather [hbm4b:s2+s9], $0x80, v6, vm0, $0xb8;
	[tilespmem:$0x10480] =	vst v63  }
0xc1: {  	_ = 	snop  }
0xc2: {  	[tilespmem:s4], [sflag:$0x1] =	stream.indirect_vreg.gather [hbm4b:s6+s9], $0x80, v6, vm0, $0xb8;
	[tilespmem:$0x10480] =	vst v63  }
0xc3: {  	_ =	swait.ge [sflag:s7], $0x8000  }
0xc4: {  	[sflag:s7] =	ssyncset.done $0x0  }
0xc5: {  	s10 =	simm.s32 $0x0;
	[sflag:s7] =	ssyncadd.s32 $0xFFFF8000  }
.LBB2_6:
0xc6: {  	s11 =	sshll.u32 s10, $0x4  }
0xc7: {  	v6 =	vmov s11  }
0xc8: {  	v6 =	vshll.u32 v6, $0x9  }
0xc9: {  	v6 =	vor.u32 v3, v6  }
0xca: {  	v7 =	vmov s9;
	v6 =	vand.u32 $0x7000, v6  }
0xcb: {  	v8 =	vand.u32 $0x7F, v7;
	v7 =	vshll.u32 v7, $0x3;
	v6 =	vor.u32 v4, v6  }
0xcc: {  	v7 =	vand.u32 $0xC00, v7;
	v8 =	vor.u32 v8, v6  }
0xcd: {  	v7 =	vor.u32 v7, v8;
	_ =	sdelay $0x2  }
0xce: {  	s11 =	simm.s32 $0x1  }
0xcf: {  	v8 =	vmov s11  }
0xd0: {  	v9 =	vand.u32 $0x7F, v8;
	v8 =	vshll.u32 v8, $0x3;
	v10 =	vld.idx.msk [tilespmem:v7+s17+$0x0], $0xffff  }
0xd1: {  	v8 =	vand.u32 $0xC00, v8;
	v9 =	vor.u32 v9, v6;
	v7 =	vld.idx.msk [tilespmem:v7+s18+$0x0], $0xffff  }
0xd2: {  	v11 =	vor.u32 v8, v9  }
0xd3: {  	s11 =	simm.s32 $0x2  }
0xd4: {  	v8 =	vmov s11  }
0xd5: {  	v9 =	vand.u32 $0x7F, v8;
	v8 =	vshll.u32 v8, $0x3  }
0xd6: {  	v9 =	vor.u32 v9, v6;
	v12 =	vsub.f32 v10, v7;
	v10 =	vand.u32 $0xC00, v8  }
0xd7: {  	v8 =	vld.idx.msk [tilespmem:v11+s17+$0x0], $0xffff;
	v9 =	vor.u32 v10, v9  }
0xd8: {  	v10 =	vld.idx.msk [tilespmem:v11+s18+$0x0], $0xffff  }
0xd9: {  	s11 =	simm.s32 $0x3;
	v7 =	vimm.f32 $0.0e+00;
	v11 =	vmul.f32 v12, v12  }
.LBB2_7:
0xda: {  	v12 =	vmov s11;
	p0 =	sne.s32 s11, $0x1FF  }
.Ltmp2:
0xdb: {  	s11 =	sadd.s32 $0x1, s11;
	v14 =	vand.u32 $0x7F, v12;
	v12 =	vshll.u32 v12, $0x3;
	v7 =	vadd.f32 v11, v7;
	(pc) =	sbr.rel @p0 .LBB2_7-.Ltmp2, $3  }
0xdc: {  	v13 =	vmov v8;
	v11 =	vand.u32 $0xC00, v12;
	v12 =	vor.u32 v14, v6;
	v8 =	vld.idx.msk [tilespmem:v9+s17+$0x0], $0xffff  }
0xdd: {  	v13 =	vsub.f32 v13, v10;
	v10 =	vld.idx.msk [tilespmem:v9+s18+$0x0], $0xffff;
	v9 =	vor.u32 v11, v12;
	_ =	sdelay $0x1  }
0xde: {  	v11 =	vmul.f32 v13, v13  }
0xdf: {  	_ =	sdelay $0x3  }
0xe0: {  	v6 =	vld.idx.msk [tilespmem:v9+s17+$0x0], $0xffff  }
0xe1: {  	v63 =	vld.idx.msk [tilespmem:v9+s18+$0x0], $0xffff;
	_ =	sdelay $0x2  }
0xe2: {  	v8 =	vsub.f32 v8, v10;
	_ =	sdelay $0x1  }
0xe3: {  	v7 =	vadd.f32 v11, v7;
	v8 =	vmul.f32 v8, v8;
	v6 =	vsub.f32 v6, v63;
	_ =	sdelay $0x1  }
0xe4: {  	s10 =	sadd.s32 $0x1, s10;
	v7 =	vadd.f32 v8, v7;
	v6 =	vmul.f32 v6, v6  }
0xe5: {  	p0 =	sne.s32 s10, $0x4  }
.Ltmp3:
0xe6: {  	v6 =	vadd.f32 v6, v7;
	(pc) =	sbr.rel @p0 .LBB2_6-.Ltmp3, $4  }
0xe7: {  	_ = 	snop  }
0xe8: {  	v6 =	vmax.f32 v6, $9.999999960e-13  }
0xe9: {  	v6 =	vmin.f32 v6, $9.999999950e+11  }
0xea: {  	v5 =	vadd.f32 v6, v5  }
0xeb: {  	s9 =	simm.s32 $0x0;
	s10 =	rddreg [dreg:$0x6]  }
0xec: {  	[tilespmem:s17], [sflag:$0x2] =	stream.linear.gather [hbm4b:s10+s9], $0x8000, $0x38;
	[tilespmem:$0x10480] =	vst v63  }
0xed: {  	_ =	swait.ge [sflag:s16], $0x8000  }
0xee: {  	[sflag:s16] =	ssyncset.done $0x0  }
0xef: {  	[sflag:s16] =	ssyncadd.s32 $0xFFFF8000  }
0xf0: {  	v6 =	vld [tilespmem:$0x100];
	_ =	sdelay $0x4  }
0xf1: {  	v7 =	vshll.u32 v6, $0x2  }
0xf2: {  	v6 =	vand.u32 $0x7, v6;
	v7 =	vand.u32 $0xFFFFFFE0, v7  }
0xf3: {  	v6 =	vor.u32 v6, v7  }
0xf4: {  	v7 =	vperm.xlane v6, v0;
	_ =	sdelay $0x1  }
0xf5: {  	v7 =	vadd.s32 v1, v7;
	_ =	sdelay $0x1  }
0xf6: {  	v6 =	vperm.xlane v6, v2;
	_ =	sdelay $0x1  }
0xf7: {  	v6 =	vadd.s32 v1, v6  }
0xf8: {  	[tilespmem:s18], [sflag:$0x1] =	stream.indirect_vreg.gather [hbm4b:s2+s9], $0x80, v7, vm0, $0xb8;
	[tilespmem:$0x10480] =	vst v63  }
0xf9: {  	_ = 	snop  }
0xfa: {  	[tilespmem:s19], [sflag:$0x1] =	stream.indirect_vreg.gather [hbm4b:s6+s9], $0x80, v7, vm0, $0xb8;
	[tilespmem:$0x10480] =	vst v63  }
0xfb: {  	_ = 	snop  }
0xfc: {  	[tilespmem:s20], [sflag:$0x1] =	stream.indirect_vreg.gather [hbm4b:s2+s9], $0x80, v6, vm0, $0xb8;
	[tilespmem:$0x10480] =	vst v63  }
0xfd: {  	_ = 	snop  }
0xfe: {  	[tilespmem:s21], [sflag:$0x1] =	stream.indirect_vreg.gather [hbm4b:s6+s9], $0x80, v6, vm0, $0xb8;
	[tilespmem:$0x10480] =	vst v63  }
0xff: {  	v6 =	vld [tilespmem:$0x110];
	_ =	sdelay $0x4  }
0x100: {  	v7 =	vshll.u32 v6, $0x2  }
0x101: {  	v6 =	vand.u32 $0x7, v6;
	v7 =	vand.u32 $0xFFFFFFE0, v7  }
0x102: {  	v6 =	vor.u32 v6, v7  }
0x103: {  	v7 =	vperm.xlane v6, v0;
	_ =	sdelay $0x1  }
0x104: {  	v7 =	vadd.s32 v1, v7;
	_ =	sdelay $0x1  }
0x105: {  	v6 =	vperm.xlane v6, v2;
	_ =	sdelay $0x1  }
0x106: {  	v6 =	vadd.s32 v1, v6  }
0x107: {  	[tilespmem:s22], [sflag:$0x1] =	stream.indirect_vreg.gather [hbm4b:s2+s9], $0x80, v7, vm0, $0xb8;
	[tilespmem:$0x10480] =	vst v63  }
0x108: {  	_ = 	snop  }
0x109: {  	[tilespmem:s23], [sflag:$0x1] =	stream.indirect_vreg.gather [hbm4b:s6+s9], $0x80, v7, vm0, $0xb8;
	[tilespmem:$0x10480] =	vst v63  }
0x10a: {  	_ = 	snop  }
0x10b: {  	[tilespmem:s24], [sflag:$0x1] =	stream.indirect_vreg.gather [hbm4b:s2+s9], $0x80, v6, vm0, $0xb8;
	[tilespmem:$0x10480] =	vst v63  }
0x10c: {  	_ = 	snop  }
0x10d: {  	[tilespmem:s25], [sflag:$0x1] =	stream.indirect_vreg.gather [hbm4b:s6+s9], $0x80, v6, vm0, $0xb8;
	[tilespmem:$0x10480] =	vst v63  }
0x10e: {  	v6 =	vld [tilespmem:$0x120];
	_ =	sdelay $0x4  }
0x10f: {  	v7 =	vshll.u32 v6, $0x2  }
0x110: {  	v6 =	vand.u32 $0x7, v6;
	v7 =	vand.u32 $0xFFFFFFE0, v7  }
0x111: {  	v6 =	vor.u32 v6, v7  }
0x112: {  	v7 =	vperm.xlane v6, v0;
	_ =	sdelay $0x1  }
0x113: {  	v7 =	vadd.s32 v1, v7;
	_ =	sdelay $0x1  }
0x114: {  	v6 =	vperm.xlane v6, v2;
	_ =	sdelay $0x1  }
0x115: {  	v6 =	vadd.s32 v1, v6  }
0x116: {  	[tilespmem:s26], [sflag:$0x1] =	stream.indirect_vreg.gather [hbm4b:s2+s9], $0x80, v7, vm0, $0xb8;
	[tilespmem:$0x10480] =	vst v63  }
0x117: {  	_ = 	snop  }
0x118: {  	[tilespmem:s28], [sflag:$0x1] =	stream.indirect_vreg.gather [hbm4b:s6+s9], $0x80, v7, vm0, $0xb8;
	[tilespmem:$0x10480] =	vst v63  }
0x119: {  	_ = 	snop  }
0x11a: {  	[tilespmem:s29], [sflag:$0x1] =	stream.indirect_vreg.gather [hbm4b:s2+s9], $0x80, v6, vm0, $0xb8;
	[tilespmem:$0x10480] =	vst v63  }
0x11b: {  	_ = 	snop  }
0x11c: {  	[tilespmem:s30], [sflag:$0x1] =	stream.indirect_vreg.gather [hbm4b:s6+s9], $0x80, v6, vm0, $0xb8;
	[tilespmem:$0x10480] =	vst v63  }
0x11d: {  	v6 =	vld [tilespmem:$0x130];
	_ =	sdelay $0x4  }
0x11e: {  	v7 =	vshll.u32 v6, $0x2  }
0x11f: {  	v6 =	vand.u32 $0x7, v6;
	v7 =	vand.u32 $0xFFFFFFE0, v7  }
0x120: {  	v6 =	vor.u32 v6, v7  }
0x121: {  	v7 =	vperm.xlane v6, v0;
	_ =	sdelay $0x1  }
0x122: {  	v7 =	vadd.s32 v1, v7;
	_ =	sdelay $0x1  }
0x123: {  	v6 =	vperm.xlane v6, v2;
	_ =	sdelay $0x1  }
0x124: {  	v6 =	vadd.s32 v1, v6  }
0x125: {  	[tilespmem:s31], [sflag:$0x1] =	stream.indirect_vreg.gather [hbm4b:s2+s9], $0x80, v7, vm0, $0xb8;
	[tilespmem:$0x10480] =	vst v63  }
0x126: {  	_ = 	snop  }
0x127: {  	[tilespmem:s1], [sflag:$0x1] =	stream.indirect_vreg.gather [hbm4b:s6+s9], $0x80, v7, vm0, $0xb8;
	[tilespmem:$0x10480] =	vst v63  }
0x128: {  	_ = 	snop  }
0x129: {  	[tilespmem:s0], [sflag:$0x1] =	stream.indirect_vreg.gather [hbm4b:s2+s9], $0x80, v6, vm0, $0xb8;
	[tilespmem:$0x10480] =	vst v63  }
0x12a: {  	_ = 	snop  }
0x12b: {  	[tilespmem:s4], [sflag:$0x1] =	stream.indirect_vreg.gather [hbm4b:s6+s9], $0x80, v6, vm0, $0xb8;
	[tilespmem:$0x10480] =	vst v63  }
0x12c: {  	_ =	swait.ge [sflag:s7], $0x8000  }
0x12d: {  	[sflag:s7] =	ssyncset.done $0x0  }
0x12e: {  	s10 =	simm.s32 $0x0;
	[sflag:s7] =	ssyncadd.s32 $0xFFFF8000  }
.LBB2_10:
0x12f: {  	s11 =	sshll.u32 s10, $0x4  }
0x130: {  	v6 =	vmov s11  }
0x131: {  	v6 =	vshll.u32 v6, $0x9  }
0x132: {  	v6 =	vor.u32 v3, v6  }
0x133: {  	v7 =	vmov s9;
	v6 =	vand.u32 $0x7000, v6  }
0x134: {  	v8 =	vand.u32 $0x7F, v7;
	v7 =	vshll.u32 v7, $0x3;
	v6 =	vor.u32 v4, v6  }
0x135: {  	v7 =	vand.u32 $0xC00, v7;
	v8 =	vor.u32 v8, v6  }
0x136: {  	v7 =	vor.u32 v7, v8;
	_ =	sdelay $0x2  }
0x137: {  	s11 =	simm.s32 $0x1  }
0x138: {  	v8 =	vmov s11  }
0x139: {  	v9 =	vand.u32 $0x7F, v8;
	v8 =	vshll.u32 v8, $0x3;
	v10 =	vld.idx.msk [tilespmem:v7+s17+$0x0], $0xffff  }
0x13a: {  	v8 =	vand.u32 $0xC00, v8;
	v9 =	vor.u32 v9, v6;
	v7 =	vld.idx.msk [tilespmem:v7+s18+$0x0], $0xffff  }
0x13b: {  	v11 =	vor.u32 v8, v9  }
0x13c: {  	s11 =	simm.s32 $0x2  }
0x13d: {  	v8 =	vmov s11  }
0x13e: {  	v9 =	vand.u32 $0x7F, v8;
	v8 =	vshll.u32 v8, $0x3  }
0x13f: {  	v9 =	vor.u32 v9, v6;
	v12 =	vsub.f32 v10, v7;
	v10 =	vand.u32 $0xC00, v8  }
0x140: {  	v8 =	vld.idx.msk [tilespmem:v11+s17+$0x0], $0xffff;
	v9 =	vor.u32 v10, v9  }
0x141: {  	v10 =	vld.idx.msk [tilespmem:v11+s18+$0x0], $0xffff  }
0x142: {  	s11 =	simm.s32 $0x3;
	v7 =	vimm.f32 $0.0e+00;
	v11 =	vmul.f32 v12, v12  }
.LBB2_11:
0x143: {  	v12 =	vmov s11;
	p0 =	sne.s32 s11, $0x1FF  }
.Ltmp4:
0x144: {  	s11 =	sadd.s32 $0x1, s11;
	v14 =	vand.u32 $0x7F, v12;
	v12 =	vshll.u32 v12, $0x3;
	v7 =	vadd.f32 v11, v7;
	(pc) =	sbr.rel @p0 .LBB2_11-.Ltmp4, $3  }
0x145: {  	v13 =	vmov v8;
	v11 =	vand.u32 $0xC00, v12;
	v12 =	vor.u32 v14, v6;
	v8 =	vld.idx.msk [tilespmem:v9+s17+$0x0], $0xffff  }
0x146: {  	v13 =	vsub.f32 v13, v10;
	v10 =	vld.idx.msk [tilespmem:v9+s18+$0x0], $0xffff;
	v9 =	vor.u32 v11, v12;
	_ =	sdelay $0x1  }
0x147: {  	v11 =	vmul.f32 v13, v13  }
0x148: {  	_ =	sdelay $0x3  }
0x149: {  	v6 =	vld.idx.msk [tilespmem:v9+s17+$0x0], $0xffff  }
0x14a: {  	v63 =	vld.idx.msk [tilespmem:v9+s18+$0x0], $0xffff;
	_ =	sdelay $0x2  }
0x14b: {  	v8 =	vsub.f32 v8, v10;
	_ =	sdelay $0x1  }
0x14c: {  	v7 =	vadd.f32 v11, v7;
	v8 =	vmul.f32 v8, v8;
	v6 =	vsub.f32 v6, v63;
	_ =	sdelay $0x1  }
0x14d: {  	s10 =	sadd.s32 $0x1, s10;
	v7 =	vadd.f32 v8, v7;
	v6 =	vmul.f32 v6, v6  }
0x14e: {  	p0 =	sne.s32 s10, $0x4  }
.Ltmp5:
0x14f: {  	v6 =	vadd.f32 v6, v7;
	(pc) =	sbr.rel @p0 .LBB2_10-.Ltmp5, $4  }
0x150: {  	_ = 	snop  }
0x151: {  	v6 =	vmax.f32 v6, $9.999999960e-13  }
0x152: {  	v6 =	vmin.f32 v6, $9.999999950e+11  }
0x153: {  	v5 =	vadd.f32 v6, v5  }
0x154: {  	s9 =	simm.s32 $0x0;
	s10 =	rddreg [dreg:$0x7]  }
0x155: {  	[tilespmem:s17], [sflag:$0x2] =	stream.linear.gather [hbm4b:s10+s9], $0x8000, $0x38;
	[tilespmem:$0x10480] =	vst v63  }
0x156: {  	_ =	swait.ge [sflag:s16], $0x8000  }
0x157: {  	[sflag:s16] =	ssyncset.done $0x0  }
0x158: {  	[sflag:s16] =	ssyncadd.s32 $0xFFFF8000  }
0x159: {  	v6 =	vld [tilespmem:$0x180];
	_ =	sdelay $0x4  }
0x15a: {  	v7 =	vshll.u32 v6, $0x2  }
0x15b: {  	v6 =	vand.u32 $0x7, v6;
	v7 =	vand.u32 $0xFFFFFFE0, v7  }
0x15c: {  	v6 =	vor.u32 v6, v7  }
0x15d: {  	v7 =	vperm.xlane v6, v0;
	_ =	sdelay $0x1  }
0x15e: {  	v7 =	vadd.s32 v1, v7;
	_ =	sdelay $0x1  }
0x15f: {  	v6 =	vperm.xlane v6, v2;
	_ =	sdelay $0x1  }
0x160: {  	v6 =	vadd.s32 v1, v6  }
0x161: {  	[tilespmem:s18], [sflag:$0x1] =	stream.indirect_vreg.gather [hbm4b:s2+s9], $0x80, v7, vm0, $0xb8;
	[tilespmem:$0x10480] =	vst v63  }
0x162: {  	_ = 	snop  }
0x163: {  	[tilespmem:s19], [sflag:$0x1] =	stream.indirect_vreg.gather [hbm4b:s6+s9], $0x80, v7, vm0, $0xb8;
	[tilespmem:$0x10480] =	vst v63  }
0x164: {  	_ = 	snop  }
0x165: {  	[tilespmem:s20], [sflag:$0x1] =	stream.indirect_vreg.gather [hbm4b:s2+s9], $0x80, v6, vm0, $0xb8;
	[tilespmem:$0x10480] =	vst v63  }
0x166: {  	_ = 	snop  }
0x167: {  	[tilespmem:s21], [sflag:$0x1] =	stream.indirect_vreg.gather [hbm4b:s6+s9], $0x80, v6, vm0, $0xb8;
	[tilespmem:$0x10480] =	vst v63  }
0x168: {  	v6 =	vld [tilespmem:$0x190];
	_ =	sdelay $0x4  }
0x169: {  	v7 =	vshll.u32 v6, $0x2  }
0x16a: {  	v6 =	vand.u32 $0x7, v6;
	v7 =	vand.u32 $0xFFFFFFE0, v7  }
0x16b: {  	v6 =	vor.u32 v6, v7  }
0x16c: {  	v7 =	vperm.xlane v6, v0;
	_ =	sdelay $0x1  }
0x16d: {  	v7 =	vadd.s32 v1, v7;
	_ =	sdelay $0x1  }
0x16e: {  	v6 =	vperm.xlane v6, v2;
	_ =	sdelay $0x1  }
0x16f: {  	v6 =	vadd.s32 v1, v6  }
0x170: {  	[tilespmem:s22], [sflag:$0x1] =	stream.indirect_vreg.gather [hbm4b:s2+s9], $0x80, v7, vm0, $0xb8;
	[tilespmem:$0x10480] =	vst v63  }
0x171: {  	_ = 	snop  }
0x172: {  	[tilespmem:s23], [sflag:$0x1] =	stream.indirect_vreg.gather [hbm4b:s6+s9], $0x80, v7, vm0, $0xb8;
	[tilespmem:$0x10480] =	vst v63  }
0x173: {  	_ = 	snop  }
0x174: {  	[tilespmem:s24], [sflag:$0x1] =	stream.indirect_vreg.gather [hbm4b:s2+s9], $0x80, v6, vm0, $0xb8;
	[tilespmem:$0x10480] =	vst v63  }
0x175: {  	_ = 	snop  }
0x176: {  	[tilespmem:s25], [sflag:$0x1] =	stream.indirect_vreg.gather [hbm4b:s6+s9], $0x80, v6, vm0, $0xb8;
	[tilespmem:$0x10480] =	vst v63  }
0x177: {  	v6 =	vld [tilespmem:$0x1A0];
	_ =	sdelay $0x4  }
0x178: {  	v7 =	vshll.u32 v6, $0x2  }
0x179: {  	v6 =	vand.u32 $0x7, v6;
	v7 =	vand.u32 $0xFFFFFFE0, v7  }
0x17a: {  	v6 =	vor.u32 v6, v7  }
0x17b: {  	v7 =	vperm.xlane v6, v0;
	_ =	sdelay $0x1  }
0x17c: {  	v7 =	vadd.s32 v1, v7;
	_ =	sdelay $0x1  }
0x17d: {  	v6 =	vperm.xlane v6, v2;
	_ =	sdelay $0x1  }
0x17e: {  	v6 =	vadd.s32 v1, v6  }
0x17f: {  	[tilespmem:s26], [sflag:$0x1] =	stream.indirect_vreg.gather [hbm4b:s2+s9], $0x80, v7, vm0, $0xb8;
	[tilespmem:$0x10480] =	vst v63  }
0x180: {  	_ = 	snop  }
0x181: {  	[tilespmem:s28], [sflag:$0x1] =	stream.indirect_vreg.gather [hbm4b:s6+s9], $0x80, v7, vm0, $0xb8;
	[tilespmem:$0x10480] =	vst v63  }
0x182: {  	_ = 	snop  }
0x183: {  	[tilespmem:s29], [sflag:$0x1] =	stream.indirect_vreg.gather [hbm4b:s2+s9], $0x80, v6, vm0, $0xb8;
	[tilespmem:$0x10480] =	vst v63  }
0x184: {  	_ = 	snop  }
0x185: {  	[tilespmem:s30], [sflag:$0x1] =	stream.indirect_vreg.gather [hbm4b:s6+s9], $0x80, v6, vm0, $0xb8;
	[tilespmem:$0x10480] =	vst v63  }
0x186: {  	v6 =	vld [tilespmem:$0x1B0];
	_ =	sdelay $0x4  }
0x187: {  	v7 =	vshll.u32 v6, $0x2  }
0x188: {  	v6 =	vand.u32 $0x7, v6;
	v7 =	vand.u32 $0xFFFFFFE0, v7  }
0x189: {  	v6 =	vor.u32 v6, v7  }
0x18a: {  	v7 =	vperm.xlane v6, v0;
	_ =	sdelay $0x1  }
0x18b: {  	v7 =	vadd.s32 v1, v7;
	_ =	sdelay $0x1  }
0x18c: {  	v6 =	vperm.xlane v6, v2;
	_ =	sdelay $0x1  }
0x18d: {  	v6 =	vadd.s32 v1, v6  }
0x18e: {  	[tilespmem:s31], [sflag:$0x1] =	stream.indirect_vreg.gather [hbm4b:s2+s9], $0x80, v7, vm0, $0xb8;
	[tilespmem:$0x10480] =	vst v63  }
0x18f: {  	_ = 	snop  }
0x190: {  	[tilespmem:s1], [sflag:$0x1] =	stream.indirect_vreg.gather [hbm4b:s6+s9], $0x80, v7, vm0, $0xb8;
	[tilespmem:$0x10480] =	vst v63  }
0x191: {  	_ = 	snop  }
0x192: {  	[tilespmem:s0], [sflag:$0x1] =	stream.indirect_vreg.gather [hbm4b:s2+s9], $0x80, v6, vm0, $0xb8;
	[tilespmem:$0x10480] =	vst v63  }
0x193: {  	_ = 	snop  }
0x194: {  	[tilespmem:s4], [sflag:$0x1] =	stream.indirect_vreg.gather [hbm4b:s6+s9], $0x80, v6, vm0, $0xb8;
	[tilespmem:$0x10480] =	vst v63  }
0x195: {  	_ =	swait.ge [sflag:s7], $0x8000  }
0x196: {  	[sflag:s7] =	ssyncset.done $0x0  }
0x197: {  	s10 =	simm.s32 $0x0;
	[sflag:s7] =	ssyncadd.s32 $0xFFFF8000  }
.LBB2_14:
0x198: {  	s11 =	sshll.u32 s10, $0x4  }
0x199: {  	v6 =	vmov s11  }
0x19a: {  	v6 =	vshll.u32 v6, $0x9  }
0x19b: {  	v6 =	vor.u32 v3, v6  }
0x19c: {  	v7 =	vmov s9;
	v6 =	vand.u32 $0x7000, v6  }
0x19d: {  	v8 =	vand.u32 $0x7F, v7;
	v7 =	vshll.u32 v7, $0x3;
	v6 =	vor.u32 v4, v6  }
0x19e: {  	v7 =	vand.u32 $0xC00, v7;
	v8 =	vor.u32 v8, v6  }
0x19f: {  	v7 =	vor.u32 v7, v8;
	_ =	sdelay $0x2  }
0x1a0: {  	s11 =	simm.s32 $0x1  }
0x1a1: {  	v8 =	vmov s11  }
0x1a2: {  	v9 =	vand.u32 $0x7F, v8;
	v8 =	vshll.u32 v8, $0x3;
	v10 =	vld.idx.msk [tilespmem:v7+s17+$0x0], $0xffff  }
0x1a3: {  	v8 =	vand.u32 $0xC00, v8;
	v9 =	vor.u32 v9, v6;
	v7 =	vld.idx.msk [tilespmem:v7+s18+$0x0], $0xffff  }
0x1a4: {  	v11 =	vor.u32 v8, v9  }
0x1a5: {  	s11 =	simm.s32 $0x2  }
0x1a6: {  	v8 =	vmov s11  }
0x1a7: {  	v9 =	vand.u32 $0x7F, v8;
	v8 =	vshll.u32 v8, $0x3  }
0x1a8: {  	v9 =	vor.u32 v9, v6;
	v12 =	vsub.f32 v10, v7;
	v10 =	vand.u32 $0xC00, v8  }
0x1a9: {  	v8 =	vld.idx.msk [tilespmem:v11+s17+$0x0], $0xffff;
	v9 =	vor.u32 v10, v9  }
0x1aa: {  	v10 =	vld.idx.msk [tilespmem:v11+s18+$0x0], $0xffff  }
0x1ab: {  	s11 =	simm.s32 $0x3;
	v7 =	vimm.f32 $0.0e+00;
	v11 =	vmul.f32 v12, v12  }
.LBB2_15:
0x1ac: {  	v12 =	vmov s11;
	p0 =	sne.s32 s11, $0x1FF  }
.Ltmp6:
0x1ad: {  	s11 =	sadd.s32 $0x1, s11;
	v14 =	vand.u32 $0x7F, v12;
	v12 =	vshll.u32 v12, $0x3;
	v7 =	vadd.f32 v11, v7;
	(pc) =	sbr.rel @p0 .LBB2_15-.Ltmp6, $3  }
0x1ae: {  	v13 =	vmov v8;
	v11 =	vand.u32 $0xC00, v12;
	v12 =	vor.u32 v14, v6;
	v8 =	vld.idx.msk [tilespmem:v9+s17+$0x0], $0xffff  }
0x1af: {  	v13 =	vsub.f32 v13, v10;
	v10 =	vld.idx.msk [tilespmem:v9+s18+$0x0], $0xffff;
	v9 =	vor.u32 v11, v12;
	_ =	sdelay $0x1  }
0x1b0: {  	v11 =	vmul.f32 v13, v13  }
0x1b1: {  	_ =	sdelay $0x3  }
0x1b2: {  	v6 =	vld.idx.msk [tilespmem:v9+s17+$0x0], $0xffff  }
0x1b3: {  	v63 =	vld.idx.msk [tilespmem:v9+s18+$0x0], $0xffff;
	_ =	sdelay $0x2  }
0x1b4: {  	v8 =	vsub.f32 v8, v10;
	_ =	sdelay $0x1  }
0x1b5: {  	v7 =	vadd.f32 v11, v7;
	v8 =	vmul.f32 v8, v8;
	v6 =	vsub.f32 v6, v63;
	_ =	sdelay $0x1  }
0x1b6: {  	s10 =	sadd.s32 $0x1, s10;
	v7 =	vadd.f32 v8, v7;
	v6 =	vmul.f32 v6, v6  }
0x1b7: {  	p0 =	sne.s32 s10, $0x4  }
.Ltmp7:
0x1b8: {  	v6 =	vadd.f32 v6, v7;
	(pc) =	sbr.rel @p0 .LBB2_14-.Ltmp7, $4  }
0x1b9: {  	_ = 	snop  }
0x1ba: {  	v6 =	vmax.f32 v6, $9.999999960e-13  }
0x1bb: {  	v6 =	vmin.f32 v6, $9.999999950e+11  }
0x1bc: {  	v5 =	vadd.f32 v6, v5  }
0x1bd: {  	s9 =	simm.s32 $0x0;
	s10 =	rddreg [dreg:$0x8]  }
0x1be: {  	[tilespmem:s17], [sflag:$0x2] =	stream.linear.gather [hbm4b:s10+s9], $0x8000, $0x38;
	[tilespmem:$0x10480] =	vst v63  }
0x1bf: {  	_ =	swait.ge [sflag:s16], $0x8000  }
0x1c0: {  	[sflag:s16] =	ssyncset.done $0x0  }
0x1c1: {  	[sflag:s16] =	ssyncadd.s32 $0xFFFF8000  }
0x1c2: {  	v6 =	vld [tilespmem:$0x200];
	_ =	sdelay $0x4  }
0x1c3: {  	v7 =	vshll.u32 v6, $0x2  }
0x1c4: {  	v6 =	vand.u32 $0x7, v6;
	v7 =	vand.u32 $0xFFFFFFE0, v7  }
0x1c5: {  	v6 =	vor.u32 v6, v7  }
0x1c6: {  	v7 =	vperm.xlane v6, v0;
	_ =	sdelay $0x1  }
0x1c7: {  	v7 =	vadd.s32 v1, v7;
	_ =	sdelay $0x1  }
0x1c8: {  	v6 =	vperm.xlane v6, v2;
	_ =	sdelay $0x1  }
0x1c9: {  	v6 =	vadd.s32 v1, v6  }
0x1ca: {  	[tilespmem:s18], [sflag:$0x1] =	stream.indirect_vreg.gather [hbm4b:s2+s9], $0x80, v7, vm0, $0xb8;
	[tilespmem:$0x10480] =	vst v63  }
0x1cb: {  	_ = 	snop  }
0x1cc: {  	[tilespmem:s19], [sflag:$0x1] =	stream.indirect_vreg.gather [hbm4b:s6+s9], $0x80, v7, vm0, $0xb8;
	[tilespmem:$0x10480] =	vst v63  }
0x1cd: {  	_ = 	snop  }
0x1ce: {  	[tilespmem:s20], [sflag:$0x1] =	stream.indirect_vreg.gather [hbm4b:s2+s9], $0x80, v6, vm0, $0xb8;
	[tilespmem:$0x10480] =	vst v63  }
0x1cf: {  	_ = 	snop  }
0x1d0: {  	[tilespmem:s21], [sflag:$0x1] =	stream.indirect_vreg.gather [hbm4b:s6+s9], $0x80, v6, vm0, $0xb8;
	[tilespmem:$0x10480] =	vst v63  }
0x1d1: {  	v6 =	vld [tilespmem:$0x210];
	_ =	sdelay $0x4  }
0x1d2: {  	v7 =	vshll.u32 v6, $0x2  }
0x1d3: {  	v6 =	vand.u32 $0x7, v6;
	v7 =	vand.u32 $0xFFFFFFE0, v7  }
0x1d4: {  	v6 =	vor.u32 v6, v7  }
0x1d5: {  	v7 =	vperm.xlane v6, v0;
	_ =	sdelay $0x1  }
0x1d6: {  	v7 =	vadd.s32 v1, v7;
	_ =	sdelay $0x1  }
0x1d7: {  	v6 =	vperm.xlane v6, v2;
	_ =	sdelay $0x1  }
0x1d8: {  	v6 =	vadd.s32 v1, v6  }
0x1d9: {  	[tilespmem:s22], [sflag:$0x1] =	stream.indirect_vreg.gather [hbm4b:s2+s9], $0x80, v7, vm0, $0xb8;
	[tilespmem:$0x10480] =	vst v63  }
0x1da: {  	_ = 	snop  }
0x1db: {  	[tilespmem:s23], [sflag:$0x1] =	stream.indirect_vreg.gather [hbm4b:s6+s9], $0x80, v7, vm0, $0xb8;
	[tilespmem:$0x10480] =	vst v63  }
0x1dc: {  	_ = 	snop  }
0x1dd: {  	[tilespmem:s24], [sflag:$0x1] =	stream.indirect_vreg.gather [hbm4b:s2+s9], $0x80, v6, vm0, $0xb8;
	[tilespmem:$0x10480] =	vst v63  }
0x1de: {  	_ = 	snop  }
0x1df: {  	[tilespmem:s25], [sflag:$0x1] =	stream.indirect_vreg.gather [hbm4b:s6+s9], $0x80, v6, vm0, $0xb8;
	[tilespmem:$0x10480] =	vst v63  }
0x1e0: {  	v6 =	vld [tilespmem:$0x220];
	_ =	sdelay $0x4  }
0x1e1: {  	v7 =	vshll.u32 v6, $0x2  }
0x1e2: {  	v6 =	vand.u32 $0x7, v6;
	v7 =	vand.u32 $0xFFFFFFE0, v7  }
0x1e3: {  	v6 =	vor.u32 v6, v7  }
0x1e4: {  	v7 =	vperm.xlane v6, v0;
	_ =	sdelay $0x1  }
0x1e5: {  	v7 =	vadd.s32 v1, v7;
	_ =	sdelay $0x1  }
0x1e6: {  	v6 =	vperm.xlane v6, v2;
	_ =	sdelay $0x1  }
0x1e7: {  	v6 =	vadd.s32 v1, v6  }
0x1e8: {  	[tilespmem:s26], [sflag:$0x1] =	stream.indirect_vreg.gather [hbm4b:s2+s9], $0x80, v7, vm0, $0xb8;
	[tilespmem:$0x10480] =	vst v63  }
0x1e9: {  	_ = 	snop  }
0x1ea: {  	[tilespmem:s28], [sflag:$0x1] =	stream.indirect_vreg.gather [hbm4b:s6+s9], $0x80, v7, vm0, $0xb8;
	[tilespmem:$0x10480] =	vst v63  }
0x1eb: {  	_ = 	snop  }
0x1ec: {  	[tilespmem:s29], [sflag:$0x1] =	stream.indirect_vreg.gather [hbm4b:s2+s9], $0x80, v6, vm0, $0xb8;
	[tilespmem:$0x10480] =	vst v63  }
0x1ed: {  	_ = 	snop  }
0x1ee: {  	[tilespmem:s30], [sflag:$0x1] =	stream.indirect_vreg.gather [hbm4b:s6+s9], $0x80, v6, vm0, $0xb8;
	[tilespmem:$0x10480] =	vst v63  }
0x1ef: {  	v6 =	vld [tilespmem:$0x230];
	_ =	sdelay $0x4  }
0x1f0: {  	v7 =	vshll.u32 v6, $0x2  }
0x1f1: {  	v6 =	vand.u32 $0x7, v6;
	v7 =	vand.u32 $0xFFFFFFE0, v7  }
0x1f2: {  	v6 =	vor.u32 v6, v7  }
0x1f3: {  	v7 =	vperm.xlane v6, v0;
	_ =	sdelay $0x1  }
0x1f4: {  	v7 =	vadd.s32 v1, v7;
	_ =	sdelay $0x1  }
0x1f5: {  	v6 =	vperm.xlane v6, v2;
	_ =	sdelay $0x1  }
0x1f6: {  	v6 =	vadd.s32 v1, v6  }
0x1f7: {  	[tilespmem:s31], [sflag:$0x1] =	stream.indirect_vreg.gather [hbm4b:s2+s9], $0x80, v7, vm0, $0xb8;
	[tilespmem:$0x10480] =	vst v63  }
0x1f8: {  	_ = 	snop  }
0x1f9: {  	[tilespmem:s1], [sflag:$0x1] =	stream.indirect_vreg.gather [hbm4b:s6+s9], $0x80, v7, vm0, $0xb8;
	[tilespmem:$0x10480] =	vst v63  }
0x1fa: {  	_ = 	snop  }
0x1fb: {  	[tilespmem:s0], [sflag:$0x1] =	stream.indirect_vreg.gather [hbm4b:s2+s9], $0x80, v6, vm0, $0xb8;
	[tilespmem:$0x10480] =	vst v63  }
0x1fc: {  	_ = 	snop  }
0x1fd: {  	[tilespmem:s4], [sflag:$0x1] =	stream.indirect_vreg.gather [hbm4b:s6+s9], $0x80, v6, vm0, $0xb8;
	[tilespmem:$0x10480] =	vst v63  }
0x1fe: {  	_ =	swait.ge [sflag:s7], $0x8000  }
0x1ff: {  	[sflag:s7] =	ssyncset.done $0x0  }
0x200: {  	s10 =	simm.s32 $0x0;
	[sflag:s7] =	ssyncadd.s32 $0xFFFF8000  }
.LBB2_18:
0x201: {  	s11 =	sshll.u32 s10, $0x4  }
0x202: {  	v6 =	vmov s11  }
0x203: {  	v6 =	vshll.u32 v6, $0x9  }
0x204: {  	v6 =	vor.u32 v3, v6  }
0x205: {  	v7 =	vmov s9;
	v6 =	vand.u32 $0x7000, v6  }
0x206: {  	v8 =	vand.u32 $0x7F, v7;
	v7 =	vshll.u32 v7, $0x3;
	v6 =	vor.u32 v4, v6  }
0x207: {  	v7 =	vand.u32 $0xC00, v7;
	v8 =	vor.u32 v8, v6  }
0x208: {  	v7 =	vor.u32 v7, v8;
	_ =	sdelay $0x2  }
0x209: {  	s11 =	simm.s32 $0x1  }
0x20a: {  	v8 =	vmov s11  }
0x20b: {  	v9 =	vand.u32 $0x7F, v8;
	v8 =	vshll.u32 v8, $0x3;
	v10 =	vld.idx.msk [tilespmem:v7+s17+$0x0], $0xffff  }
0x20c: {  	v8 =	vand.u32 $0xC00, v8;
	v9 =	vor.u32 v9, v6;
	v7 =	vld.idx.msk [tilespmem:v7+s18+$0x0], $0xffff  }
0x20d: {  	v11 =	vor.u32 v8, v9  }
0x20e: {  	s11 =	simm.s32 $0x2  }
0x20f: {  	v8 =	vmov s11  }
0x210: {  	v9 =	vand.u32 $0x7F, v8;
	v8 =	vshll.u32 v8, $0x3  }
0x211: {  	v9 =	vor.u32 v9, v6;
	v12 =	vsub.f32 v10, v7;
	v10 =	vand.u32 $0xC00, v8  }
0x212: {  	v8 =	vld.idx.msk [tilespmem:v11+s17+$0x0], $0xffff;
	v9 =	vor.u32 v10, v9  }
0x213: {  	v10 =	vld.idx.msk [tilespmem:v11+s18+$0x0], $0xffff  }
0x214: {  	s11 =	simm.s32 $0x3;
	v7 =	vimm.f32 $0.0e+00;
	v11 =	vmul.f32 v12, v12  }
.LBB2_19:
0x215: {  	v12 =	vmov s11;
	p0 =	sne.s32 s11, $0x1FF  }
.Ltmp8:
0x216: {  	s11 =	sadd.s32 $0x1, s11;
	v14 =	vand.u32 $0x7F, v12;
	v12 =	vshll.u32 v12, $0x3;
	v7 =	vadd.f32 v11, v7;
	(pc) =	sbr.rel @p0 .LBB2_19-.Ltmp8, $3  }
0x217: {  	v13 =	vmov v8;
	v11 =	vand.u32 $0xC00, v12;
	v12 =	vor.u32 v14, v6;
	v8 =	vld.idx.msk [tilespmem:v9+s17+$0x0], $0xffff  }
0x218: {  	v13 =	vsub.f32 v13, v10;
	v10 =	vld.idx.msk [tilespmem:v9+s18+$0x0], $0xffff;
	v9 =	vor.u32 v11, v12;
	_ =	sdelay $0x1  }
0x219: {  	v11 =	vmul.f32 v13, v13  }
0x21a: {  	_ =	sdelay $0x3  }
0x21b: {  	v6 =	vld.idx.msk [tilespmem:v9+s17+$0x0], $0xffff  }
0x21c: {  	v63 =	vld.idx.msk [tilespmem:v9+s18+$0x0], $0xffff;
	_ =	sdelay $0x2  }
0x21d: {  	v8 =	vsub.f32 v8, v10;
	_ =	sdelay $0x1  }
0x21e: {  	v7 =	vadd.f32 v11, v7;
	v8 =	vmul.f32 v8, v8;
	v6 =	vsub.f32 v6, v63;
	_ =	sdelay $0x1  }
0x21f: {  	s10 =	sadd.s32 $0x1, s10;
	v7 =	vadd.f32 v8, v7;
	v6 =	vmul.f32 v6, v6  }
0x220: {  	p0 =	sne.s32 s10, $0x4  }
.Ltmp9:
0x221: {  	v6 =	vadd.f32 v6, v7;
	(pc) =	sbr.rel @p0 .LBB2_18-.Ltmp9, $4  }
0x222: {  	_ = 	snop  }
0x223: {  	v6 =	vmax.f32 v6, $9.999999960e-13  }
0x224: {  	v6 =	vmin.f32 v6, $9.999999950e+11  }
0x225: {  	v5 =	vadd.f32 v6, v5  }
0x226: {  	s9 =	simm.s32 $0x0;
	s10 =	rddreg [dreg:$0x9]  }
0x227: {  	[tilespmem:s17], [sflag:$0x2] =	stream.linear.gather [hbm4b:s10+s9], $0x8000, $0x38;
	[tilespmem:$0x10480] =	vst v63  }
0x228: {  	_ =	swait.ge [sflag:s16], $0x8000  }
0x229: {  	[sflag:s16] =	ssyncset.done $0x0  }
0x22a: {  	[sflag:s16] =	ssyncadd.s32 $0xFFFF8000  }
0x22b: {  	v6 =	vld [tilespmem:$0x280];
	_ =	sdelay $0x4  }
0x22c: {  	v7 =	vshll.u32 v6, $0x2  }
0x22d: {  	v6 =	vand.u32 $0x7, v6;
	v7 =	vand.u32 $0xFFFFFFE0, v7  }
0x22e: {  	v6 =	vor.u32 v6, v7  }
0x22f: {  	v7 =	vperm.xlane v6, v0;
	_ =	sdelay $0x1  }
0x230: {  	v7 =	vadd.s32 v1, v7;
	_ =	sdelay $0x1  }
0x231: {  	v6 =	vperm.xlane v6, v2;
	_ =	sdelay $0x1  }
0x232: {  	v6 =	vadd.s32 v1, v6  }
0x233: {  	[tilespmem:s18], [sflag:$0x1] =	stream.indirect_vreg.gather [hbm4b:s2+s9], $0x80, v7, vm0, $0xb8;
	[tilespmem:$0x10480] =	vst v63  }
0x234: {  	_ = 	snop  }
0x235: {  	[tilespmem:s19], [sflag:$0x1] =	stream.indirect_vreg.gather [hbm4b:s6+s9], $0x80, v7, vm0, $0xb8;
	[tilespmem:$0x10480] =	vst v63  }
0x236: {  	_ = 	snop  }
0x237: {  	[tilespmem:s20], [sflag:$0x1] =	stream.indirect_vreg.gather [hbm4b:s2+s9], $0x80, v6, vm0, $0xb8;
	[tilespmem:$0x10480] =	vst v63  }
0x238: {  	_ = 	snop  }
0x239: {  	[tilespmem:s21], [sflag:$0x1] =	stream.indirect_vreg.gather [hbm4b:s6+s9], $0x80, v6, vm0, $0xb8;
	[tilespmem:$0x10480] =	vst v63  }
0x23a: {  	v6 =	vld [tilespmem:$0x290];
	_ =	sdelay $0x4  }
0x23b: {  	v7 =	vshll.u32 v6, $0x2  }
0x23c: {  	v6 =	vand.u32 $0x7, v6;
	v7 =	vand.u32 $0xFFFFFFE0, v7  }
0x23d: {  	v6 =	vor.u32 v6, v7  }
0x23e: {  	v7 =	vperm.xlane v6, v0;
	_ =	sdelay $0x1  }
0x23f: {  	v7 =	vadd.s32 v1, v7;
	_ =	sdelay $0x1  }
0x240: {  	v6 =	vperm.xlane v6, v2;
	_ =	sdelay $0x1  }
0x241: {  	v6 =	vadd.s32 v1, v6  }
0x242: {  	[tilespmem:s22], [sflag:$0x1] =	stream.indirect_vreg.gather [hbm4b:s2+s9], $0x80, v7, vm0, $0xb8;
	[tilespmem:$0x10480] =	vst v63  }
0x243: {  	_ = 	snop  }
0x244: {  	[tilespmem:s23], [sflag:$0x1] =	stream.indirect_vreg.gather [hbm4b:s6+s9], $0x80, v7, vm0, $0xb8;
	[tilespmem:$0x10480] =	vst v63  }
0x245: {  	_ = 	snop  }
0x246: {  	[tilespmem:s24], [sflag:$0x1] =	stream.indirect_vreg.gather [hbm4b:s2+s9], $0x80, v6, vm0, $0xb8;
	[tilespmem:$0x10480] =	vst v63  }
0x247: {  	_ = 	snop  }
0x248: {  	[tilespmem:s25], [sflag:$0x1] =	stream.indirect_vreg.gather [hbm4b:s6+s9], $0x80, v6, vm0, $0xb8;
	[tilespmem:$0x10480] =	vst v63  }
0x249: {  	v6 =	vld [tilespmem:$0x2A0];
	_ =	sdelay $0x4  }
0x24a: {  	v7 =	vshll.u32 v6, $0x2  }
0x24b: {  	v6 =	vand.u32 $0x7, v6;
	v7 =	vand.u32 $0xFFFFFFE0, v7  }
0x24c: {  	v6 =	vor.u32 v6, v7  }
0x24d: {  	v7 =	vperm.xlane v6, v0;
	_ =	sdelay $0x1  }
0x24e: {  	v7 =	vadd.s32 v1, v7;
	_ =	sdelay $0x1  }
0x24f: {  	v6 =	vperm.xlane v6, v2;
	_ =	sdelay $0x1  }
0x250: {  	v6 =	vadd.s32 v1, v6  }
0x251: {  	[tilespmem:s26], [sflag:$0x1] =	stream.indirect_vreg.gather [hbm4b:s2+s9], $0x80, v7, vm0, $0xb8;
	[tilespmem:$0x10480] =	vst v63  }
0x252: {  	_ = 	snop  }
0x253: {  	[tilespmem:s28], [sflag:$0x1] =	stream.indirect_vreg.gather [hbm4b:s6+s9], $0x80, v7, vm0, $0xb8;
	[tilespmem:$0x10480] =	vst v63  }
0x254: {  	_ = 	snop  }
0x255: {  	[tilespmem:s29], [sflag:$0x1] =	stream.indirect_vreg.gather [hbm4b:s2+s9], $0x80, v6, vm0, $0xb8;
	[tilespmem:$0x10480] =	vst v63  }
0x256: {  	_ = 	snop  }
0x257: {  	[tilespmem:s30], [sflag:$0x1] =	stream.indirect_vreg.gather [hbm4b:s6+s9], $0x80, v6, vm0, $0xb8;
	[tilespmem:$0x10480] =	vst v63  }
0x258: {  	v6 =	vld [tilespmem:$0x2B0];
	_ =	sdelay $0x4  }
0x259: {  	v7 =	vshll.u32 v6, $0x2  }
0x25a: {  	v6 =	vand.u32 $0x7, v6;
	v7 =	vand.u32 $0xFFFFFFE0, v7  }
0x25b: {  	v6 =	vor.u32 v6, v7  }
0x25c: {  	v7 =	vperm.xlane v6, v0;
	_ =	sdelay $0x1  }
0x25d: {  	v7 =	vadd.s32 v1, v7;
	_ =	sdelay $0x1  }
0x25e: {  	v6 =	vperm.xlane v6, v2;
	_ =	sdelay $0x1  }
0x25f: {  	v6 =	vadd.s32 v1, v6  }
0x260: {  	[tilespmem:s31], [sflag:$0x1] =	stream.indirect_vreg.gather [hbm4b:s2+s9], $0x80, v7, vm0, $0xb8;
	[tilespmem:$0x10480] =	vst v63  }
0x261: {  	_ = 	snop  }
0x262: {  	[tilespmem:s1], [sflag:$0x1] =	stream.indirect_vreg.gather [hbm4b:s6+s9], $0x80, v7, vm0, $0xb8;
	[tilespmem:$0x10480] =	vst v63  }
0x263: {  	_ = 	snop  }
0x264: {  	[tilespmem:s0], [sflag:$0x1] =	stream.indirect_vreg.gather [hbm4b:s2+s9], $0x80, v6, vm0, $0xb8;
	[tilespmem:$0x10480] =	vst v63  }
0x265: {  	_ = 	snop  }
0x266: {  	[tilespmem:s4], [sflag:$0x1] =	stream.indirect_vreg.gather [hbm4b:s6+s9], $0x80, v6, vm0, $0xb8;
	[tilespmem:$0x10480] =	vst v63  }
0x267: {  	_ =	swait.ge [sflag:s7], $0x8000  }
0x268: {  	[sflag:s7] =	ssyncset.done $0x0  }
0x269: {  	s10 =	simm.s32 $0x0;
	[sflag:s7] =	ssyncadd.s32 $0xFFFF8000  }
.LBB2_22:
0x26a: {  	s11 =	sshll.u32 s10, $0x4  }
0x26b: {  	v6 =	vmov s11  }
0x26c: {  	v6 =	vshll.u32 v6, $0x9  }
0x26d: {  	v6 =	vor.u32 v3, v6  }
0x26e: {  	v7 =	vmov s9;
	v6 =	vand.u32 $0x7000, v6  }
0x26f: {  	v8 =	vand.u32 $0x7F, v7;
	v7 =	vshll.u32 v7, $0x3;
	v6 =	vor.u32 v4, v6  }
0x270: {  	v7 =	vand.u32 $0xC00, v7;
	v8 =	vor.u32 v8, v6  }
0x271: {  	v7 =	vor.u32 v7, v8;
	_ =	sdelay $0x2  }
0x272: {  	s11 =	simm.s32 $0x1  }
0x273: {  	v8 =	vmov s11  }
0x274: {  	v9 =	vand.u32 $0x7F, v8;
	v8 =	vshll.u32 v8, $0x3;
	v10 =	vld.idx.msk [tilespmem:v7+s17+$0x0], $0xffff  }
0x275: {  	v8 =	vand.u32 $0xC00, v8;
	v9 =	vor.u32 v9, v6;
	v7 =	vld.idx.msk [tilespmem:v7+s18+$0x0], $0xffff  }
0x276: {  	v11 =	vor.u32 v8, v9  }
0x277: {  	s11 =	simm.s32 $0x2  }
0x278: {  	v8 =	vmov s11  }
0x279: {  	v9 =	vand.u32 $0x7F, v8;
	v8 =	vshll.u32 v8, $0x3  }
0x27a: {  	v9 =	vor.u32 v9, v6;
	v12 =	vsub.f32 v10, v7;
	v10 =	vand.u32 $0xC00, v8  }
0x27b: {  	v8 =	vld.idx.msk [tilespmem:v11+s17+$0x0], $0xffff;
	v9 =	vor.u32 v10, v9  }
0x27c: {  	v10 =	vld.idx.msk [tilespmem:v11+s18+$0x0], $0xffff  }
0x27d: {  	s11 =	simm.s32 $0x3;
	v7 =	vimm.f32 $0.0e+00;
	v11 =	vmul.f32 v12, v12  }
.LBB2_23:
0x27e: {  	v12 =	vmov s11;
	p0 =	sne.s32 s11, $0x1FF  }
.Ltmp10:
0x27f: {  	s11 =	sadd.s32 $0x1, s11;
	v14 =	vand.u32 $0x7F, v12;
	v12 =	vshll.u32 v12, $0x3;
	v7 =	vadd.f32 v11, v7;
	(pc) =	sbr.rel @p0 .LBB2_23-.Ltmp10, $3  }
0x280: {  	v13 =	vmov v8;
	v11 =	vand.u32 $0xC00, v12;
	v12 =	vor.u32 v14, v6;
	v8 =	vld.idx.msk [tilespmem:v9+s17+$0x0], $0xffff  }
0x281: {  	v13 =	vsub.f32 v13, v10;
	v10 =	vld.idx.msk [tilespmem:v9+s18+$0x0], $0xffff;
	v9 =	vor.u32 v11, v12;
	_ =	sdelay $0x1  }
0x282: {  	v11 =	vmul.f32 v13, v13  }
0x283: {  	_ =	sdelay $0x3  }
0x284: {  	v6 =	vld.idx.msk [tilespmem:v9+s17+$0x0], $0xffff  }
0x285: {  	v63 =	vld.idx.msk [tilespmem:v9+s18+$0x0], $0xffff;
	_ =	sdelay $0x2  }
0x286: {  	v8 =	vsub.f32 v8, v10;
	_ =	sdelay $0x1  }
0x287: {  	v7 =	vadd.f32 v11, v7;
	v8 =	vmul.f32 v8, v8;
	v6 =	vsub.f32 v6, v63;
	_ =	sdelay $0x1  }
0x288: {  	s10 =	sadd.s32 $0x1, s10;
	v7 =	vadd.f32 v8, v7;
	v6 =	vmul.f32 v6, v6  }
0x289: {  	p0 =	sne.s32 s10, $0x4  }
.Ltmp11:
0x28a: {  	v6 =	vadd.f32 v6, v7;
	(pc) =	sbr.rel @p0 .LBB2_22-.Ltmp11, $4  }
0x28b: {  	_ = 	snop  }
0x28c: {  	v6 =	vmax.f32 v6, $9.999999960e-13  }
0x28d: {  	v6 =	vmin.f32 v6, $9.999999950e+11  }
0x28e: {  	v5 =	vadd.f32 v6, v5  }
0x28f: {  	s9 =	simm.s32 $0x0  }
0x290: {  	[tilespmem:s17], [sflag:$0x2] =	stream.linear.gather [hbm4b:s12+s9], $0x8000, $0x38;
	[tilespmem:$0x10480] =	vst v63  }
0x291: {  	_ =	swait.ge [sflag:s16], $0x8000  }
0x292: {  	[sflag:s16] =	ssyncset.done $0x0  }
0x293: {  	[sflag:s16] =	ssyncadd.s32 $0xFFFF8000  }
0x294: {  	v6 =	vld [tilespmem:$0x300];
	_ =	sdelay $0x4  }
0x295: {  	v7 =	vshll.u32 v6, $0x2  }
0x296: {  	v6 =	vand.u32 $0x7, v6;
	v7 =	vand.u32 $0xFFFFFFE0, v7  }
0x297: {  	v6 =	vor.u32 v6, v7  }
0x298: {  	v7 =	vperm.xlane v6, v0;
	_ =	sdelay $0x1  }
0x299: {  	v7 =	vadd.s32 v1, v7;
	_ =	sdelay $0x1  }
0x29a: {  	v6 =	vperm.xlane v6, v2;
	_ =	sdelay $0x1  }
0x29b: {  	v6 =	vadd.s32 v1, v6  }
0x29c: {  	[tilespmem:s18], [sflag:$0x1] =	stream.indirect_vreg.gather [hbm4b:s2+s9], $0x80, v7, vm0, $0xb8;
	[tilespmem:$0x10480] =	vst v63  }
0x29d: {  	_ = 	snop  }
0x29e: {  	[tilespmem:s19], [sflag:$0x1] =	stream.indirect_vreg.gather [hbm4b:s6+s9], $0x80, v7, vm0, $0xb8;
	[tilespmem:$0x10480] =	vst v63  }
0x29f: {  	_ = 	snop  }
0x2a0: {  	[tilespmem:s20], [sflag:$0x1] =	stream.indirect_vreg.gather [hbm4b:s2+s9], $0x80, v6, vm0, $0xb8;
	[tilespmem:$0x10480] =	vst v63  }
0x2a1: {  	_ = 	snop  }
0x2a2: {  	[tilespmem:s21], [sflag:$0x1] =	stream.indirect_vreg.gather [hbm4b:s6+s9], $0x80, v6, vm0, $0xb8;
	[tilespmem:$0x10480] =	vst v63  }
0x2a3: {  	v6 =	vld [tilespmem:$0x310];
	_ =	sdelay $0x4  }
0x2a4: {  	v7 =	vshll.u32 v6, $0x2  }
0x2a5: {  	v6 =	vand.u32 $0x7, v6;
	v7 =	vand.u32 $0xFFFFFFE0, v7  }
0x2a6: {  	v6 =	vor.u32 v6, v7  }
0x2a7: {  	v7 =	vperm.xlane v6, v0;
	_ =	sdelay $0x1  }
0x2a8: {  	v7 =	vadd.s32 v1, v7;
	_ =	sdelay $0x1  }
0x2a9: {  	v6 =	vperm.xlane v6, v2;
	_ =	sdelay $0x1  }
0x2aa: {  	v6 =	vadd.s32 v1, v6  }
0x2ab: {  	[tilespmem:s22], [sflag:$0x1] =	stream.indirect_vreg.gather [hbm4b:s2+s9], $0x80, v7, vm0, $0xb8;
	[tilespmem:$0x10480] =	vst v63  }
0x2ac: {  	_ = 	snop  }
0x2ad: {  	[tilespmem:s23], [sflag:$0x1] =	stream.indirect_vreg.gather [hbm4b:s6+s9], $0x80, v7, vm0, $0xb8;
	[tilespmem:$0x10480] =	vst v63  }
0x2ae: {  	_ = 	snop  }
0x2af: {  	[tilespmem:s24], [sflag:$0x1] =	stream.indirect_vreg.gather [hbm4b:s2+s9], $0x80, v6, vm0, $0xb8;
	[tilespmem:$0x10480] =	vst v63  }
0x2b0: {  	_ = 	snop  }
0x2b1: {  	[tilespmem:s25], [sflag:$0x1] =	stream.indirect_vreg.gather [hbm4b:s6+s9], $0x80, v6, vm0, $0xb8;
	[tilespmem:$0x10480] =	vst v63  }
0x2b2: {  	v6 =	vld [tilespmem:$0x320];
	_ =	sdelay $0x4  }
0x2b3: {  	v7 =	vshll.u32 v6, $0x2  }
0x2b4: {  	v6 =	vand.u32 $0x7, v6;
	v7 =	vand.u32 $0xFFFFFFE0, v7  }
0x2b5: {  	v6 =	vor.u32 v6, v7  }
0x2b6: {  	v7 =	vperm.xlane v6, v0;
	_ =	sdelay $0x1  }
0x2b7: {  	v7 =	vadd.s32 v1, v7;
	_ =	sdelay $0x1  }
0x2b8: {  	v6 =	vperm.xlane v6, v2;
	_ =	sdelay $0x1  }
0x2b9: {  	v6 =	vadd.s32 v1, v6  }
0x2ba: {  	[tilespmem:s26], [sflag:$0x1] =	stream.indirect_vreg.gather [hbm4b:s2+s9], $0x80, v7, vm0, $0xb8;
	[tilespmem:$0x10480] =	vst v63  }
0x2bb: {  	_ = 	snop  }
0x2bc: {  	[tilespmem:s28], [sflag:$0x1] =	stream.indirect_vreg.gather [hbm4b:s6+s9], $0x80, v7, vm0, $0xb8;
	[tilespmem:$0x10480] =	vst v63  }
0x2bd: {  	_ = 	snop  }
0x2be: {  	[tilespmem:s29], [sflag:$0x1] =	stream.indirect_vreg.gather [hbm4b:s2+s9], $0x80, v6, vm0, $0xb8;
	[tilespmem:$0x10480] =	vst v63  }
0x2bf: {  	_ = 	snop  }
0x2c0: {  	[tilespmem:s30], [sflag:$0x1] =	stream.indirect_vreg.gather [hbm4b:s6+s9], $0x80, v6, vm0, $0xb8;
	[tilespmem:$0x10480] =	vst v63  }
0x2c1: {  	v6 =	vld [tilespmem:$0x330];
	_ =	sdelay $0x4  }
0x2c2: {  	v7 =	vshll.u32 v6, $0x2  }
0x2c3: {  	v6 =	vand.u32 $0x7, v6;
	v7 =	vand.u32 $0xFFFFFFE0, v7  }
0x2c4: {  	v6 =	vor.u32 v6, v7  }
0x2c5: {  	v7 =	vperm.xlane v6, v0;
	_ =	sdelay $0x1  }
0x2c6: {  	v7 =	vadd.s32 v1, v7;
	_ =	sdelay $0x1  }
0x2c7: {  	v6 =	vperm.xlane v6, v2;
	_ =	sdelay $0x1  }
0x2c8: {  	v6 =	vadd.s32 v1, v6  }
0x2c9: {  	[tilespmem:s31], [sflag:$0x1] =	stream.indirect_vreg.gather [hbm4b:s2+s9], $0x80, v7, vm0, $0xb8;
	[tilespmem:$0x10480] =	vst v63  }
0x2ca: {  	_ = 	snop  }
0x2cb: {  	[tilespmem:s1], [sflag:$0x1] =	stream.indirect_vreg.gather [hbm4b:s6+s9], $0x80, v7, vm0, $0xb8;
	[tilespmem:$0x10480] =	vst v63  }
0x2cc: {  	_ = 	snop  }
0x2cd: {  	[tilespmem:s0], [sflag:$0x1] =	stream.indirect_vreg.gather [hbm4b:s2+s9], $0x80, v6, vm0, $0xb8;
	[tilespmem:$0x10480] =	vst v63  }
0x2ce: {  	_ = 	snop  }
0x2cf: {  	[tilespmem:s4], [sflag:$0x1] =	stream.indirect_vreg.gather [hbm4b:s6+s9], $0x80, v6, vm0, $0xb8;
	[tilespmem:$0x10480] =	vst v63  }
0x2d0: {  	_ =	swait.ge [sflag:s7], $0x8000  }
0x2d1: {  	[sflag:s7] =	ssyncset.done $0x0  }
0x2d2: {  	s10 =	simm.s32 $0x0;
	[sflag:s7] =	ssyncadd.s32 $0xFFFF8000  }
.LBB2_26:
0x2d3: {  	s11 =	sshll.u32 s10, $0x4  }
0x2d4: {  	v6 =	vmov s11  }
0x2d5: {  	v6 =	vshll.u32 v6, $0x9  }
0x2d6: {  	v6 =	vor.u32 v3, v6  }
0x2d7: {  	v7 =	vmov s9;
	v6 =	vand.u32 $0x7000, v6  }
0x2d8: {  	v8 =	vand.u32 $0x7F, v7;
	v7 =	vshll.u32 v7, $0x3;
	v6 =	vor.u32 v4, v6  }
0x2d9: {  	v7 =	vand.u32 $0xC00, v7;
	v8 =	vor.u32 v8, v6  }
0x2da: {  	v7 =	vor.u32 v7, v8;
	_ =	sdelay $0x2  }
0x2db: {  	s11 =	simm.s32 $0x1  }
0x2dc: {  	v8 =	vmov s11  }
0x2dd: {  	v9 =	vand.u32 $0x7F, v8;
	v8 =	vshll.u32 v8, $0x3;
	v10 =	vld.idx.msk [tilespmem:v7+s17+$0x0], $0xffff  }
0x2de: {  	v8 =	vand.u32 $0xC00, v8;
	v9 =	vor.u32 v9, v6;
	v7 =	vld.idx.msk [tilespmem:v7+s18+$0x0], $0xffff  }
0x2df: {  	v11 =	vor.u32 v8, v9  }
0x2e0: {  	s11 =	simm.s32 $0x2  }
0x2e1: {  	v8 =	vmov s11  }
0x2e2: {  	v9 =	vand.u32 $0x7F, v8;
	v8 =	vshll.u32 v8, $0x3  }
0x2e3: {  	v9 =	vor.u32 v9, v6;
	v12 =	vsub.f32 v10, v7;
	v10 =	vand.u32 $0xC00, v8  }
0x2e4: {  	v8 =	vld.idx.msk [tilespmem:v11+s17+$0x0], $0xffff;
	v9 =	vor.u32 v10, v9  }
0x2e5: {  	v10 =	vld.idx.msk [tilespmem:v11+s18+$0x0], $0xffff  }
0x2e6: {  	s11 =	simm.s32 $0x3;
	v7 =	vimm.f32 $0.0e+00;
	v11 =	vmul.f32 v12, v12  }
.LBB2_27:
0x2e7: {  	v12 =	vmov s11;
	p0 =	sne.s32 s11, $0x1FF  }
.Ltmp12:
0x2e8: {  	s11 =	sadd.s32 $0x1, s11;
	v14 =	vand.u32 $0x7F, v12;
	v12 =	vshll.u32 v12, $0x3;
	v7 =	vadd.f32 v11, v7;
	(pc) =	sbr.rel @p0 .LBB2_27-.Ltmp12, $3  }
0x2e9: {  	v13 =	vmov v8;
	v11 =	vand.u32 $0xC00, v12;
	v12 =	vor.u32 v14, v6;
	v8 =	vld.idx.msk [tilespmem:v9+s17+$0x0], $0xffff  }
0x2ea: {  	v13 =	vsub.f32 v13, v10;
	v10 =	vld.idx.msk [tilespmem:v9+s18+$0x0], $0xffff;
	v9 =	vor.u32 v11, v12;
	_ =	sdelay $0x1  }
0x2eb: {  	v11 =	vmul.f32 v13, v13  }
0x2ec: {  	_ =	sdelay $0x3  }
0x2ed: {  	v6 =	vld.idx.msk [tilespmem:v9+s17+$0x0], $0xffff  }
0x2ee: {  	v63 =	vld.idx.msk [tilespmem:v9+s18+$0x0], $0xffff;
	_ =	sdelay $0x2  }
0x2ef: {  	v8 =	vsub.f32 v8, v10;
	_ =	sdelay $0x1  }
0x2f0: {  	v7 =	vadd.f32 v11, v7;
	v8 =	vmul.f32 v8, v8;
	v6 =	vsub.f32 v6, v63;
	_ =	sdelay $0x1  }
0x2f1: {  	s10 =	sadd.s32 $0x1, s10;
	v7 =	vadd.f32 v8, v7;
	v6 =	vmul.f32 v6, v6  }
0x2f2: {  	p0 =	sne.s32 s10, $0x4  }
.Ltmp13:
0x2f3: {  	v6 =	vadd.f32 v6, v7;
	(pc) =	sbr.rel @p0 .LBB2_26-.Ltmp13, $4  }
0x2f4: {  	_ = 	snop  }
0x2f5: {  	v6 =	vmax.f32 v6, $9.999999960e-13  }
0x2f6: {  	v6 =	vmin.f32 v6, $9.999999950e+11  }
0x2f7: {  	v5 =	vadd.f32 v6, v5  }
0x2f8: {  	s9 =	simm.s32 $0x0  }
0x2f9: {  	[tilespmem:s17], [sflag:$0x2] =	stream.linear.gather [hbm4b:s13+s9], $0x8000, $0x38;
	[tilespmem:$0x10480] =	vst v63  }
0x2fa: {  	_ =	swait.ge [sflag:s16], $0x8000  }
0x2fb: {  	[sflag:s16] =	ssyncset.done $0x0  }
0x2fc: {  	[sflag:s16] =	ssyncadd.s32 $0xFFFF8000  }
0x2fd: {  	v6 =	vld [tilespmem:$0x380];
	_ =	sdelay $0x4  }
0x2fe: {  	v7 =	vshll.u32 v6, $0x2  }
0x2ff: {  	v6 =	vand.u32 $0x7, v6;
	v7 =	vand.u32 $0xFFFFFFE0, v7  }
0x300: {  	v6 =	vor.u32 v6, v7  }
0x301: {  	v7 =	vperm.xlane v6, v0;
	_ =	sdelay $0x1  }
0x302: {  	v7 =	vadd.s32 v1, v7;
	_ =	sdelay $0x1  }
0x303: {  	v6 =	vperm.xlane v6, v2;
	_ =	sdelay $0x1  }
0x304: {  	v6 =	vadd.s32 v1, v6  }
0x305: {  	[tilespmem:s18], [sflag:$0x1] =	stream.indirect_vreg.gather [hbm4b:s2+s9], $0x80, v7, vm0, $0xb8;
	[tilespmem:$0x10480] =	vst v63  }
0x306: {  	_ = 	snop  }
0x307: {  	[tilespmem:s19], [sflag:$0x1] =	stream.indirect_vreg.gather [hbm4b:s6+s9], $0x80, v7, vm0, $0xb8;
	[tilespmem:$0x10480] =	vst v63  }
0x308: {  	_ = 	snop  }
0x309: {  	[tilespmem:s20], [sflag:$0x1] =	stream.indirect_vreg.gather [hbm4b:s2+s9], $0x80, v6, vm0, $0xb8;
	[tilespmem:$0x10480] =	vst v63  }
0x30a: {  	_ = 	snop  }
0x30b: {  	[tilespmem:s21], [sflag:$0x1] =	stream.indirect_vreg.gather [hbm4b:s6+s9], $0x80, v6, vm0, $0xb8;
	[tilespmem:$0x10480] =	vst v63  }
0x30c: {  	v6 =	vld [tilespmem:$0x390];
	_ =	sdelay $0x4  }
0x30d: {  	v7 =	vshll.u32 v6, $0x2  }
0x30e: {  	v6 =	vand.u32 $0x7, v6;
	v7 =	vand.u32 $0xFFFFFFE0, v7  }
0x30f: {  	v6 =	vor.u32 v6, v7  }
0x310: {  	v7 =	vperm.xlane v6, v0;
	_ =	sdelay $0x1  }
0x311: {  	v7 =	vadd.s32 v1, v7;
	_ =	sdelay $0x1  }
0x312: {  	v6 =	vperm.xlane v6, v2;
	_ =	sdelay $0x1  }
0x313: {  	v6 =	vadd.s32 v1, v6  }
0x314: {  	[tilespmem:s22], [sflag:$0x1] =	stream.indirect_vreg.gather [hbm4b:s2+s9], $0x80, v7, vm0, $0xb8;
	[tilespmem:$0x10480] =	vst v63  }
0x315: {  	_ = 	snop  }
0x316: {  	[tilespmem:s23], [sflag:$0x1] =	stream.indirect_vreg.gather [hbm4b:s6+s9], $0x80, v7, vm0, $0xb8;
	[tilespmem:$0x10480] =	vst v63  }
0x317: {  	_ = 	snop  }
0x318: {  	[tilespmem:s24], [sflag:$0x1] =	stream.indirect_vreg.gather [hbm4b:s2+s9], $0x80, v6, vm0, $0xb8;
	[tilespmem:$0x10480] =	vst v63  }
0x319: {  	_ = 	snop  }
0x31a: {  	[tilespmem:s25], [sflag:$0x1] =	stream.indirect_vreg.gather [hbm4b:s6+s9], $0x80, v6, vm0, $0xb8;
	[tilespmem:$0x10480] =	vst v63  }
0x31b: {  	v6 =	vld [tilespmem:$0x3A0];
	_ =	sdelay $0x4  }
0x31c: {  	v7 =	vshll.u32 v6, $0x2  }
0x31d: {  	v6 =	vand.u32 $0x7, v6;
	v7 =	vand.u32 $0xFFFFFFE0, v7  }
0x31e: {  	v6 =	vor.u32 v6, v7  }
0x31f: {  	v7 =	vperm.xlane v6, v0;
	_ =	sdelay $0x1  }
0x320: {  	v7 =	vadd.s32 v1, v7;
	_ =	sdelay $0x1  }
0x321: {  	v6 =	vperm.xlane v6, v2;
	_ =	sdelay $0x1  }
0x322: {  	v6 =	vadd.s32 v1, v6  }
0x323: {  	[tilespmem:s26], [sflag:$0x1] =	stream.indirect_vreg.gather [hbm4b:s2+s9], $0x80, v7, vm0, $0xb8;
	[tilespmem:$0x10480] =	vst v63  }
0x324: {  	_ = 	snop  }
0x325: {  	[tilespmem:s28], [sflag:$0x1] =	stream.indirect_vreg.gather [hbm4b:s6+s9], $0x80, v7, vm0, $0xb8;
	[tilespmem:$0x10480] =	vst v63  }
0x326: {  	_ = 	snop  }
0x327: {  	[tilespmem:s29], [sflag:$0x1] =	stream.indirect_vreg.gather [hbm4b:s2+s9], $0x80, v6, vm0, $0xb8;
	[tilespmem:$0x10480] =	vst v63  }
0x328: {  	_ = 	snop  }
0x329: {  	[tilespmem:s30], [sflag:$0x1] =	stream.indirect_vreg.gather [hbm4b:s6+s9], $0x80, v6, vm0, $0xb8;
	[tilespmem:$0x10480] =	vst v63  }
0x32a: {  	v6 =	vld [tilespmem:$0x3B0];
	_ =	sdelay $0x4  }
0x32b: {  	v7 =	vshll.u32 v6, $0x2  }
0x32c: {  	v6 =	vand.u32 $0x7, v6;
	v7 =	vand.u32 $0xFFFFFFE0, v7  }
0x32d: {  	v6 =	vor.u32 v6, v7  }
0x32e: {  	v7 =	vperm.xlane v6, v0;
	_ =	sdelay $0x1  }
0x32f: {  	v7 =	vadd.s32 v1, v7;
	_ =	sdelay $0x1  }
0x330: {  	v6 =	vperm.xlane v6, v2;
	_ =	sdelay $0x1  }
0x331: {  	v6 =	vadd.s32 v1, v6  }
0x332: {  	[tilespmem:s31], [sflag:$0x1] =	stream.indirect_vreg.gather [hbm4b:s2+s9], $0x80, v7, vm0, $0xb8;
	[tilespmem:$0x10480] =	vst v63  }
0x333: {  	_ = 	snop  }
0x334: {  	[tilespmem:s1], [sflag:$0x1] =	stream.indirect_vreg.gather [hbm4b:s6+s9], $0x80, v7, vm0, $0xb8;
	[tilespmem:$0x10480] =	vst v63  }
0x335: {  	_ = 	snop  }
0x336: {  	[tilespmem:s0], [sflag:$0x1] =	stream.indirect_vreg.gather [hbm4b:s2+s9], $0x80, v6, vm0, $0xb8;
	[tilespmem:$0x10480] =	vst v63  }
0x337: {  	_ = 	snop  }
0x338: {  	[tilespmem:s4], [sflag:$0x1] =	stream.indirect_vreg.gather [hbm4b:s6+s9], $0x80, v6, vm0, $0xb8;
	[tilespmem:$0x10480] =	vst v63  }
0x339: {  	_ =	swait.ge [sflag:s7], $0x8000  }
0x33a: {  	[sflag:s7] =	ssyncset.done $0x0  }
0x33b: {  	s10 =	simm.s32 $0x0;
	[sflag:s7] =	ssyncadd.s32 $0xFFFF8000  }
.LBB2_30:
0x33c: {  	s11 =	sshll.u32 s10, $0x4  }
0x33d: {  	v6 =	vmov s11  }
0x33e: {  	v6 =	vshll.u32 v6, $0x9  }
0x33f: {  	v6 =	vor.u32 v3, v6  }
0x340: {  	v7 =	vmov s9;
	v6 =	vand.u32 $0x7000, v6  }
0x341: {  	v8 =	vand.u32 $0x7F, v7;
	v7 =	vshll.u32 v7, $0x3;
	v6 =	vor.u32 v4, v6  }
0x342: {  	v7 =	vand.u32 $0xC00, v7;
	v8 =	vor.u32 v8, v6  }
0x343: {  	v7 =	vor.u32 v7, v8;
	_ =	sdelay $0x2  }
0x344: {  	s11 =	simm.s32 $0x1  }
0x345: {  	v8 =	vmov s11  }
0x346: {  	v9 =	vand.u32 $0x7F, v8;
	v8 =	vshll.u32 v8, $0x3;
	v10 =	vld.idx.msk [tilespmem:v7+s17+$0x0], $0xffff  }
0x347: {  	v8 =	vand.u32 $0xC00, v8;
	v9 =	vor.u32 v9, v6;
	v7 =	vld.idx.msk [tilespmem:v7+s18+$0x0], $0xffff  }
0x348: {  	v11 =	vor.u32 v8, v9  }
0x349: {  	s11 =	simm.s32 $0x2  }
0x34a: {  	v8 =	vmov s11  }
0x34b: {  	v9 =	vand.u32 $0x7F, v8;
	v8 =	vshll.u32 v8, $0x3  }
0x34c: {  	v9 =	vor.u32 v9, v6;
	v12 =	vsub.f32 v10, v7;
	v10 =	vand.u32 $0xC00, v8  }
0x34d: {  	v8 =	vld.idx.msk [tilespmem:v11+s17+$0x0], $0xffff;
	v9 =	vor.u32 v10, v9  }
0x34e: {  	v10 =	vld.idx.msk [tilespmem:v11+s18+$0x0], $0xffff  }
0x34f: {  	s11 =	simm.s32 $0x3;
	v7 =	vimm.f32 $0.0e+00;
	v11 =	vmul.f32 v12, v12  }
.LBB2_31:
0x350: {  	v12 =	vmov s11;
	p0 =	sne.s32 s11, $0x1FF  }
.Ltmp14:
0x351: {  	s11 =	sadd.s32 $0x1, s11;
	v14 =	vand.u32 $0x7F, v12;
	v12 =	vshll.u32 v12, $0x3;
	v7 =	vadd.f32 v11, v7;
	(pc) =	sbr.rel @p0 .LBB2_31-.Ltmp14, $3  }
0x352: {  	v13 =	vmov v8;
	v11 =	vand.u32 $0xC00, v12;
	v12 =	vor.u32 v14, v6;
	v8 =	vld.idx.msk [tilespmem:v9+s17+$0x0], $0xffff  }
0x353: {  	v13 =	vsub.f32 v13, v10;
	v10 =	vld.idx.msk [tilespmem:v9+s18+$0x0], $0xffff;
	v9 =	vor.u32 v11, v12;
	_ =	sdelay $0x1  }
0x354: {  	v11 =	vmul.f32 v13, v13  }
0x355: {  	_ =	sdelay $0x3  }
0x356: {  	v6 =	vld.idx.msk [tilespmem:v9+s17+$0x0], $0xffff  }
0x357: {  	v63 =	vld.idx.msk [tilespmem:v9+s18+$0x0], $0xffff;
	_ =	sdelay $0x2  }
0x358: {  	v8 =	vsub.f32 v8, v10;
	_ =	sdelay $0x1  }
0x359: {  	v7 =	vadd.f32 v11, v7;
	v8 =	vmul.f32 v8, v8;
	v6 =	vsub.f32 v6, v63;
	_ =	sdelay $0x1  }
0x35a: {  	s10 =	sadd.s32 $0x1, s10;
	v7 =	vadd.f32 v8, v7;
	v6 =	vmul.f32 v6, v6  }
0x35b: {  	p0 =	sne.s32 s10, $0x4  }
.Ltmp15:
0x35c: {  	v6 =	vadd.f32 v6, v7;
	(pc) =	sbr.rel @p0 .LBB2_30-.Ltmp15, $4  }
0x35d: {  	_ = 	snop  }
0x35e: {  	v6 =	vmax.f32 v6, $9.999999960e-13  }
0x35f: {  	v6 =	vmin.f32 v6, $9.999999950e+11  }
0x360: {  	v5 =	vadd.f32 v6, v5  }
0x361: {  	s8 =	sadd.s32 $0x1, s8  }
0x362: {  	p0 =	sne.s32 s8, s15  }
.Ltmp16:
0x363: {  	s9 =	simm.s32 $0x10400;
	[tilespmem:$0x10400] =	vst v5;
	(pc) =	sbr.rel @p0 .LBB2_1-.Ltmp16, $4  }
0x364: {  	[hbm4b:s14+s3] =	stream.linear.scatter [tilespmem:s9], [sflag:$0x2], $0x80, $0x38;
	[tilespmem:$0x10480] =	vst v63  }
0x365: {  	_ =	swait.ge [sflag:s16], $0x80  }
0x366: {  	[sflag:s16] =	ssyncset.done $0x0  }
0x367: {  	[sflag:s16] =	ssyncadd.s32 $0xFFFFFF80  }
0x368: {  	_ =	sfence.sel $0x180000  }
0x369: {  	[bflag:$0x0] =	sbarrier.arrive $0xFFFF  }
0x36a: {  	_ =	strace $0x90000047  }
0x36b: {  	s0 =	stileid.u32;
	[bflag:$0x2] =	sbarrier.arrive $0xFFFF  }
0x36c: {  	p0 =	sne.s32 s0, $0x0;
	s0 =	rddreg [dreg:$0x3]  }
0x36d: {  	s0 =	sadd.s32 @!p0 $0x100000, s0  }
0x36e: {  	[sflag:s0] =	ssyncadd.tile.s32 @!p0 $0x1;
	_ =	shalt  }
.Lfunc_end2:
_tile_overlayer_lowered:
.L_overlay_start_2:
0x36f: {  	(tag) =	ssettag $0x2  }
0x370: {  	s0 =	rddreg [dreg:$0x0];
	s2 =	stileid.u32  }
0x371: {  	s1 =	rddreg [dreg:$0x1];
	p0 =	sne.s32 s2, $0x0  }
0x372: {  	s3 =	rddreg [dreg:$0x2];
	[bflag:$0x3] =	sbarrier.arrive $0xFFFF;
	s2 =	simm.s32 @!p0 $0x1C02  }
0x373: {  	[timem:s3], [sflag:s2] =	dma.local @!p0 [hbm:s0], s1  }
0x374: {  	s0 =	simm.s32 @!p0 $0x2  }
0x375: {  	_ =	swait.ge @!p0 [sflag:s0], s1  }
0x376: {  	s1 =	ssub.s32 @!p0 $0x0, s1;
	[sflag:s0] =	ssyncset.done @!p0 $0x0  }
0x377: {  	[sflag:s0] =	ssyncadd.s32 @!p0 s1  }
0x378: {  	[bflag:$0x3] =	sbarrier.arrive $0xFFFF  }
0x379: {  	_ =	shalt  }

</sc_bundles>
